<compile_context>
chip_gen: v7x
topology: tpu7x:2x2x1
jax: 0.10.2.dev20260603
libtpu: 0.0.44.dev20260713+nightly
codegen_flags: <defaults>
</compile_context>

<pallas_src>
import functools

import jax
import jax.numpy as jnp
from jax import lax
from jax.experimental import pallas as pl
from jax.experimental.pallas import tpu as pltpu
from jax.experimental.pallas import tpu_sc as plsc

_NC = 2
_NS = 16
_NW = _NC * _NS
_LANES = 16


def _dist_argmin_body(z_ref, w_ref, w2_ref, ind_ref):
    z = z_ref[...]
    w = w_ref[...]
    w2 = w2_ref[...]
    z2 = jnp.sum(z * z, axis=1, keepdims=True)
    e = jax.lax.dot_general(z.astype(jnp.bfloat16), w.astype(jnp.bfloat16),
                            (((1,), (1,)), ((), ())),
                            preferred_element_type=jnp.float32)
    d = (z2 - 2.0 * e) + w2
    iota_f = jax.lax.broadcasted_iota(jnp.int32, d.shape, 1).astype(jnp.float32)
    m = jnp.min(d, axis=1, keepdims=True)
    ind_f = jnp.min(jnp.where(d == m, iota_f, float(d.shape[1])), axis=1)
    ind_ref[0, 0, :] = ind_f.astype(jnp.int32)


def _dist_argmin(zf, W, w2, tm):
    n, d_model = zf.shape
    k_cb = W.shape[0]
    g = n // tm
    return pl.pallas_call(
        _dist_argmin_body,
        grid=(g,),
        in_specs=[
            pl.BlockSpec((tm, d_model), lambda i: (i, 0)),
            pl.BlockSpec((k_cb, d_model), lambda i: (0, 0)),
            pl.BlockSpec((1, k_cb), lambda i: (0, 0)),
        ],
        out_specs=pl.BlockSpec((1, 1, tm), lambda i: (i, 0, 0)),
        out_shape=jax.ShapeDtypeStruct((g, 1, tm), jnp.int32),
    )(zf, W, w2)


def _sc_lookup(W, ind_flat, zf):
    n, d_model = zf.shape
    rows = n // _NW
    half = (rows // 2 + 7) // 8 * 8
    mesh = plsc.VectorSubcoreMesh(core_axis_name="c", subcore_axis_name="s")

    @functools.partial(
        pl.kernel,
        mesh=mesh,
        out_type=(
            jax.ShapeDtypeStruct((n, d_model), jnp.float32),
            jax.ShapeDtypeStruct((_NW, _LANES), jnp.float32),
        ),
        scratch_types=[
            pltpu.VMEM((rows,), jnp.int32),
            pltpu.VMEM((rows, d_model), jnp.float32),
            pltpu.VMEM((rows, d_model), jnp.float32),
            pltpu.VMEM((_LANES,), jnp.float32),
            pltpu.SemaphoreType.DMA,
        ],
    )
    def sc_kernel(w_hbm, idx_hbm, z_hbm, zq_hbm, part_hbm,
                  idx_v, rows_v, z_v, acc_v, sem):
        wid = lax.axis_index("s") * _NC + lax.axis_index("c")
        base = wid * rows
        pltpu.sync_copy(idx_hbm.at[pl.ds(base, rows)], idx_v)
        cp1 = pltpu.async_copy(w_hbm.at[idx_v.at[pl.ds(0, half)]],
                               rows_v.at[pl.ds(0, half)], sem)
        cp2 = pltpu.async_copy(w_hbm.at[idx_v.at[pl.ds(half, rows - half)]],
                               rows_v.at[pl.ds(half, rows - half)], sem)
        pltpu.sync_copy(z_hbm.at[pl.ds(base, rows)], z_v)
        cp1.wait()
        cp2.wait()

        def body(r, acc):
            for c in range(d_model // _LANES):
                sl = pl.ds(c * _LANES, _LANES)
                zq = rows_v[r, sl]
                zz = z_v[r, sl]
                dlt = zq - zz
                rows_v[r, sl] = zz + dlt
                acc = acc + dlt * dlt
            return acc

        acc = lax.fori_loop(0, rows, body, jnp.zeros((_LANES,), jnp.float32))
        acc_v[...] = acc
        pltpu.sync_copy(rows_v, zq_hbm.at[pl.ds(base, rows)])
        pltpu.sync_copy(acc_v, part_hbm.at[wid])

    return sc_kernel(W, ind_flat, zf)


def kernel(z, W):
    b, t, d_model = z.shape
    n = b * t
    tm = 1152
    zf = z.reshape(n, d_model)
    w2 = jnp.sum(W ** 2, axis=-1).reshape(1, W.shape[0])
    ind3 = _dist_argmin(zf, W, w2, tm)
    ind_flat = ind3.reshape(n)
    zq_st, part = _sc_lookup(W, ind_flat, zf)
    loss = 2.0 * jnp.sum(part) / (n * d_model)
    return zq_st.reshape(b, t, d_model), ind3.reshape(b, t), loss

# --- scband reference (transcript-rebuilt; emitter-appended) ---
"""Pipeline reference for scband-vq-4647154614361 (READ-ONLY COPY).

The authoritative reference and input builder live on the scoring server;
editing this copy changes nothing except your own understanding.
"""

import jax, jax.numpy as jnp
import numpy as np

K = 1024
HIDDEN = 256

def setup_inputs(seed: int = 0) -> dict:
    key = jax.random.key(seed)
    kz, kw = jax.random.split(key)
    z = jax.random.normal(kz, (8, 576, HIDDEN), dtype=jnp.float32)
    # nn.Embedding weight initialized uniform(-1/k, 1/k)
    W = jax.random.uniform(kw, (K, HIDDEN), dtype=jnp.float32, minval=-1.0 / K, maxval=1.0 / K)
    return {"z": z, "W": W}

def reference(z, W):
    # squared-euclidean distances to every codebook vector
    # expanded form ||z||^2 - 2 z.W^T + ||W||^2 (mathematically identical to
    # sum((z.unsqueeze(-2) - W)**2, -1) but avoids materializing B*T*K*D)
    z2 = jnp.sum(z ** 2, axis=-1, keepdims=True)           # [B, T, 1]
    w2 = jnp.sum(W ** 2, axis=-1)                          # [K]
    distances = z2 - 2.0 * jnp.einsum('btd,kd->btk', z, W) + w2  # [B, T, K]
    ind = jnp.argmin(distances, axis=-1)                   # [B, T]
    z_q = jnp.take(W, ind, axis=0)                          # [B, T, D] embedding lookup
    vq_loss = jnp.mean((z_q - jax.lax.stop_gradient(z)) ** 2)
    commitment_loss = jnp.mean((z - jax.lax.stop_gradient(z_q)) ** 2)
    z_q_straight_through = z + jax.lax.stop_gradient(z_q - z)
    return (z_q_straight_through, ind, vq_loss + commitment_loss)

if __name__ == "__main__":
    import jax
    _d = setup_inputs()
    print(jax.jit(kernel)(*tuple(_d.values())))

</pallas_src>

<mosaic_0001>
#map = affine_map<(d0, d1) -> (0, 0)>
#map1 = affine_map<(d0, d1) -> (0)>
module attributes {stable_mosaic.version = 14 : i64} {
  func.func @sc_kernel(%arg0: i32, %arg1: i32, %arg2: memref<1024x256xf32, #tpu.memory_space<hbm>>, %arg3: memref<4608xi32, #tpu.memory_space<hbm>>, %arg4: memref<4608x256xf32, #tpu.memory_space<hbm>>, %arg5: memref<4608x256xf32, #tpu.memory_space<hbm>>, %arg6: memref<32x16xf32, #tpu.memory_space<hbm>>, %arg7: memref<144xi32, #tpu.memory_space<vmem>>, %arg8: memref<144x256xf32, #tpu.memory_space<vmem>>, %arg9: memref<144x256xf32, #tpu.memory_space<vmem>>, %arg10: memref<16xf32, #tpu.memory_space<vmem>>, %arg11: memref<!tpu.dma_semaphore, #tpu.memory_space<semaphore_mem>>) attributes {dimension_semantics = [#tpu.dimension_semantics<core_parallel>, #tpu.dimension_semantics<subcore_parallel>], iteration_bounds = array<i64: 2, 16>, scalar_prefetch = 0 : i64, scratch_operands = 5 : i64, tpu.core_type = #tpu.core_type<sc_vector_subcore>, window_params = [{transform_indices = #map}, {transform_indices = #map1}, {transform_indices = #map}, {transform_indices = #map}, {transform_indices = #map}]} {
    %mul3A = arith.constant 2 : i32
    %mul3A_0 = arith.muli %arg1, %mul3A : i32
    %add3A = arith.addi %mul3A_0, %arg0 : i32
    %mul3A_1 = arith.constant 144 : i32
    %mul3A_2 = arith.muli %add3A, %mul3A_1 : i32
    "tpu.region"() ({
      %run_scoped3A = tpu.sem_alloc : memref<!tpu.dma_semaphore, #tpu.memory_space<semaphore_mem>>
      %dma_start3A_42 = tpu.memref_slice %arg3[%mul3A_2] : memref<4608xi32, #tpu.memory_space<hbm>> -> memref<144xi32, #tpu.memory_space<hbm>>
      %dma_start3A_43 = tpu.memref_slice %arg3[%mul3A_2] : memref<4608xi32, #tpu.memory_space<hbm>> -> memref<144xi32, #tpu.memory_space<hbm>>
      tpu.enqueue_dma source(%dma_start3A_43 : memref<144xi32, #tpu.memory_space<hbm>>) target(%arg7 : memref<144xi32, #tpu.memory_space<vmem>>) target_semaphore(%run_scoped3A : memref<!tpu.dma_semaphore, #tpu.memory_space<semaphore_mem>>)
      %dma_wait3A_44 = tpu.memref_slice %arg3[%mul3A_2] : memref<4608xi32, #tpu.memory_space<hbm>> -> memref<144xi32, #tpu.memory_space<hbm>>
      %dma_wait3A_45 = tpu.memref_slice %arg3[%mul3A_2] : memref<4608xi32, #tpu.memory_space<hbm>> -> memref<144xi32, #tpu.memory_space<hbm>>
      tpu.wait_dma2 semaphore(%run_scoped3A : memref<!tpu.dma_semaphore, #tpu.memory_space<semaphore_mem>>) src(%dma_wait3A_45 : memref<144xi32, #tpu.memory_space<hbm>>) dst(%arg7 : memref<144xi32, #tpu.memory_space<vmem>>)
      tpu.yield
    }) : () -> ()
    %dma_start3A = arith.constant 0 : i32
    %dma_start3A_3 = arith.constant 0 : i32
    %dma_start3A_4 = tpu.memref_slice %arg8[%dma_start3A, %dma_start3A_3] : memref<144x256xf32, #tpu.memory_space<vmem>> -> memref<72x256xf32, #tpu.memory_space<vmem>>
    %dma_start3A_5 = arith.constant 0 : i32
    %dma_start3A_6 = tpu.memref_slice %arg7[%dma_start3A_5] : memref<144xi32, #tpu.memory_space<vmem>> -> memref<72xi32, #tpu.memory_space<vmem>>
    %dma_start3A_7 = arith.constant 0 : i32
    %dma_start3A_8 = arith.constant 0 : i32
    %dma_start3A_9 = tpu.memref_slice %arg2[%dma_start3A_7, %dma_start3A_8] : memref<1024x256xf32, #tpu.memory_space<hbm>> -> memref<1024x256xf32, #tpu.memory_space<hbm>>
    tpu.enqueue_indirect_dma source(%dma_start3A_9 : memref<1024x256xf32, #tpu.memory_space<hbm>>) target(%dma_start3A_4 : memref<72x256xf32, #tpu.memory_space<vmem>>) offsets(%dma_start3A_6 : memref<72xi32, #tpu.memory_space<vmem>>) semaphore(%arg11 : memref<!tpu.dma_semaphore, #tpu.memory_space<semaphore_mem>>)
    %dma_start3A_10 = arith.constant 72 : i32
    %dma_start3A_11 = arith.constant 0 : i32
    %dma_start3A_12 = tpu.memref_slice %arg8[%dma_start3A_10, %dma_start3A_11] : memref<144x256xf32, #tpu.memory_space<vmem>> -> memref<72x256xf32, #tpu.memory_space<vmem>>
    %dma_start3A_13 = arith.constant 72 : i32
    %dma_start3A_14 = tpu.memref_slice %arg7[%dma_start3A_13] : memref<144xi32, #tpu.memory_space<vmem>> -> memref<72xi32, #tpu.memory_space<vmem>>
    %dma_start3A_15 = arith.constant 0 : i32
    %dma_start3A_16 = arith.constant 0 : i32
    %dma_start3A_17 = tpu.memref_slice %arg2[%dma_start3A_15, %dma_start3A_16] : memref<1024x256xf32, #tpu.memory_space<hbm>> -> memref<1024x256xf32, #tpu.memory_space<hbm>>
    tpu.enqueue_indirect_dma source(%dma_start3A_17 : memref<1024x256xf32, #tpu.memory_space<hbm>>) target(%dma_start3A_12 : memref<72x256xf32, #tpu.memory_space<vmem>>) offsets(%dma_start3A_14 : memref<72xi32, #tpu.memory_space<vmem>>) semaphore(%arg11 : memref<!tpu.dma_semaphore, #tpu.memory_space<semaphore_mem>>)
    "tpu.region"() ({
      %run_scoped3A = tpu.sem_alloc : memref<!tpu.dma_semaphore, #tpu.memory_space<semaphore_mem>>
      %dma_start3A_42 = arith.constant 0 : i32
      %dma_start3A_43 = tpu.memref_slice %arg4[%mul3A_2, %dma_start3A_42] : memref<4608x256xf32, #tpu.memory_space<hbm>> -> memref<144x256xf32, #tpu.memory_space<hbm>>
      %dma_start3A_44 = arith.constant 0 : i32
      %dma_start3A_45 = tpu.memref_slice %arg4[%mul3A_2, %dma_start3A_44] : memref<4608x256xf32, #tpu.memory_space<hbm>> -> memref<144x256xf32, #tpu.memory_space<hbm>>
      tpu.enqueue_dma source(%dma_start3A_45 : memref<144x256xf32, #tpu.memory_space<hbm>>) target(%arg9 : memref<144x256xf32, #tpu.memory_space<vmem>>) target_semaphore(%run_scoped3A : memref<!tpu.dma_semaphore, #tpu.memory_space<semaphore_mem>>)
      %dma_wait3A_46 = arith.constant 0 : i32
      %dma_wait3A_47 = tpu.memref_slice %arg4[%mul3A_2, %dma_wait3A_46] : memref<4608x256xf32, #tpu.memory_space<hbm>> -> memref<144x256xf32, #tpu.memory_space<hbm>>
      %dma_wait3A_48 = arith.constant 0 : i32
      %dma_wait3A_49 = tpu.memref_slice %arg4[%mul3A_2, %dma_wait3A_48] : memref<4608x256xf32, #tpu.memory_space<hbm>> -> memref<144x256xf32, #tpu.memory_space<hbm>>
      tpu.wait_dma2 semaphore(%run_scoped3A : memref<!tpu.dma_semaphore, #tpu.memory_space<semaphore_mem>>) src(%dma_wait3A_49 : memref<144x256xf32, #tpu.memory_space<hbm>>) dst(%arg9 : memref<144x256xf32, #tpu.memory_space<vmem>>)
      tpu.yield
    }) : () -> ()
    %dma_wait3A = arith.constant 0 : i32
    %dma_wait3A_18 = arith.constant 0 : i32
    %dma_wait3A_19 = tpu.memref_slice %arg8[%dma_wait3A, %dma_wait3A_18] : memref<144x256xf32, #tpu.memory_space<vmem>> -> memref<72x256xf32, #tpu.memory_space<vmem>>
    %dma_wait3A_20 = arith.constant 0 : i32
    %dma_wait3A_21 = tpu.memref_slice %arg7[%dma_wait3A_20] : memref<144xi32, #tpu.memory_space<vmem>> -> memref<72xi32, #tpu.memory_space<vmem>>
    %dma_wait3A_22 = arith.constant 0 : i32
    %dma_wait3A_23 = arith.constant 0 : i32
    %dma_wait3A_24 = tpu.memref_slice %arg2[%dma_wait3A_22, %dma_wait3A_23] : memref<1024x256xf32, #tpu.memory_space<hbm>> -> memref<1024x256xf32, #tpu.memory_space<hbm>>
    tpu.wait_indirect_dma semaphore(%arg11 : memref<!tpu.dma_semaphore, #tpu.memory_space<semaphore_mem>>) src(%dma_wait3A_24 : memref<1024x256xf32, #tpu.memory_space<hbm>>) dst(%dma_wait3A_19 : memref<72x256xf32, #tpu.memory_space<vmem>>)
    %dma_wait3A_25 = arith.constant 72 : i32
    %dma_wait3A_26 = arith.constant 0 : i32
    %dma_wait3A_27 = tpu.memref_slice %arg8[%dma_wait3A_25, %dma_wait3A_26] : memref<144x256xf32, #tpu.memory_space<vmem>> -> memref<72x256xf32, #tpu.memory_space<vmem>>
    %dma_wait3A_28 = arith.constant 72 : i32
    %dma_wait3A_29 = tpu.memref_slice %arg7[%dma_wait3A_28] : memref<144xi32, #tpu.memory_space<vmem>> -> memref<72xi32, #tpu.memory_space<vmem>>
    %dma_wait3A_30 = arith.constant 0 : i32
    %dma_wait3A_31 = arith.constant 0 : i32
    %dma_wait3A_32 = tpu.memref_slice %arg2[%dma_wait3A_30, %dma_wait3A_31] : memref<1024x256xf32, #tpu.memory_space<hbm>> -> memref<1024x256xf32, #tpu.memory_space<hbm>>
    tpu.wait_indirect_dma semaphore(%arg11 : memref<!tpu.dma_semaphore, #tpu.memory_space<semaphore_mem>>) src(%dma_wait3A_32 : memref<1024x256xf32, #tpu.memory_space<hbm>>) dst(%dma_wait3A_27 : memref<72x256xf32, #tpu.memory_space<vmem>>)
    %broadcast_in_dim3A = arith.constant 0.000000e+00 : f32
    %broadcast_in_dim3A_33 = vector.broadcast %broadcast_in_dim3A : f32 to vector<16xf32>
    %scan3A = arith.constant 0 : i32
    %scan3A_34 = arith.constant 144 : i32
    %scan3A_35 = arith.addi %scan3A, %scan3A_34 : i32
    %scan3A_36 = arith.constant 1 : i32
    %scan3A_37 = scf.for %scan3A_42 = %scan3A to %scan3A_35 step %scan3A_36 iter_args(%scan3A_43 = %broadcast_in_dim3A_33) -> (vector<16xf32>)  : i32 {
      %get3A = arith.index_cast %scan3A_42 : i32 to index
      %get3A_44 = arith.constant 0 : index
      %get3A_45 = tpu.vector_load %arg8[%get3A, %get3A_44] {strides = array<i32>} : memref<144x256xf32, #tpu.memory_space<vmem>>, vector<1x16xf32>,
      %get3A_46 = vector.shape_cast %get3A_45 : vector<1x16xf32> to vector<16xf32>
      %get3A_47 = arith.index_cast %scan3A_42 : i32 to index
      %get3A_48 = arith.constant 0 : index
      %get3A_49 = tpu.vector_load %arg9[%get3A_47, %get3A_48] {strides = array<i32>} : memref<144x256xf32, #tpu.memory_space<vmem>>, vector<1x16xf32>,
      %get3A_50 = vector.shape_cast %get3A_49 : vector<1x16xf32> to vector<16xf32>
      %sub3A = arith.subf %get3A_46, %get3A_50 : vector<16xf32>
      %add3A_51 = arith.addf %get3A_50, %sub3A : vector<16xf32>
      %swap3A_52 = arith.index_cast %scan3A_42 : i32 to index
      %swap3A_53 = arith.constant 0 : index
      %swap3A_54 = tpu.vector_load %arg8[%swap3A_52, %swap3A_53] {strides = array<i32>} : memref<144x256xf32, #tpu.memory_space<vmem>>, vector<1x16xf32>,
      %swap3A_55 = vector.shape_cast %swap3A_54 : vector<1x16xf32> to vector<16xf32>
      %swap3A_56 = vector.shape_cast %add3A_51 : vector<16xf32> to vector<1x16xf32>
      tpu.vector_store %arg8[%swap3A_52, %swap3A_53], %swap3A_56 {strides = array<i32>} : memref<144x256xf32, #tpu.memory_space<vmem>>, vector<1x16xf32>,
      %mul3A_57 = arith.mulf %sub3A, %sub3A : vector<16xf32>
      %add3A_58 = arith.addf %scan3A_43, %mul3A_57 : vector<16xf32>
      %get3A_59 = arith.index_cast %scan3A_42 : i32 to index
      %get3A_60 = arith.constant 16 : index
      %get3A_61 = tpu.vector_load %arg8[%get3A_59, %get3A_60] {strides = array<i32>} : memref<144x256xf32, #tpu.memory_space<vmem>>, vector<1x16xf32>,
      %get3A_62 = vector.shape_cast %get3A_61 : vector<1x16xf32> to vector<16xf32>
      %get3A_63 = arith.index_cast %scan3A_42 : i32 to index
      %get3A_64 = arith.constant 16 : index
      %get3A_65 = tpu.vector_load %arg9[%get3A_63, %get3A_64] {strides = array<i32>} : memref<144x256xf32, #tpu.memory_space<vmem>>, vector<1x16xf32>,
      %get3A_66 = vector.shape_cast %get3A_65 : vector<1x16xf32> to vector<16xf32>
      %sub3A_67 = arith.subf %get3A_62, %get3A_66 : vector<16xf32>
      %add3A_68 = arith.addf %get3A_66, %sub3A_67 : vector<16xf32>
      %swap3A_69 = arith.index_cast %scan3A_42 : i32 to index
      %swap3A_70 = arith.constant 16 : index
      %swap3A_71 = tpu.vector_load %arg8[%swap3A_69, %swap3A_70] {strides = array<i32>} : memref<144x256xf32, #tpu.memory_space<vmem>>, vector<1x16xf32>,
      %swap3A_72 = vector.shape_cast %swap3A_71 : vector<1x16xf32> to vector<16xf32>
      %swap3A_73 = vector.shape_cast %add3A_68 : vector<16xf32> to vector<1x16xf32>
      tpu.vector_store %arg8[%swap3A_69, %swap3A_70], %swap3A_73 {strides = array<i32>} : memref<144x256xf32, #tpu.memory_space<vmem>>, vector<1x16xf32>,
      %mul3A_74 = arith.mulf %sub3A_67, %sub3A_67 : vector<16xf32>
      %add3A_75 = arith.addf %add3A_58, %mul3A_74 : vector<16xf32>
      %get3A_76 = arith.index_cast %scan3A_42 : i32 to index
      %get3A_77 = arith.constant 32 : index
      %get3A_78 = tpu.vector_load %arg8[%get3A_76, %get3A_77] {strides = array<i32>} : memref<144x256xf32, #tpu.memory_space<vmem>>, vector<1x16xf32>,
      %get3A_79 = vector.shape_cast %get3A_78 : vector<1x16xf32> to vector<16xf32>
      %get3A_80 = arith.index_cast %scan3A_42 : i32 to index
      %get3A_81 = arith.constant 32 : index
      %get3A_82 = tpu.vector_load %arg9[%get3A_80, %get3A_81] {strides = array<i32>} : memref<144x256xf32, #tpu.memory_space<vmem>>, vector<1x16xf32>,
      %get3A_83 = vector.shape_cast %get3A_82 : vector<1x16xf32> to vector<16xf32>
      %sub3A_84 = arith.subf %get3A_79, %get3A_83 : vector<16xf32>
      %add3A_85 = arith.addf %get3A_83, %sub3A_84 : vector<16xf32>
      %swap3A_86 = arith.index_cast %scan3A_42 : i32 to index
      %swap3A_87 = arith.constant 32 : index
      %swap3A_88 = tpu.vector_load %arg8[%swap3A_86, %swap3A_87] {strides = array<i32>} : memref<144x256xf32, #tpu.memory_space<vmem>>, vector<1x16xf32>,
      %swap3A_89 = vector.shape_cast %swap3A_88 : vector<1x16xf32> to vector<16xf32>
      %swap3A_90 = vector.shape_cast %add3A_85 : vector<16xf32> to vector<1x16xf32>
      tpu.vector_store %arg8[%swap3A_86, %swap3A_87], %swap3A_90 {strides = array<i32>} : memref<144x256xf32, #tpu.memory_space<vmem>>, vector<1x16xf32>,
      %mul3A_91 = arith.mulf %sub3A_84, %sub3A_84 : vector<16xf32>
      %add3A_92 = arith.addf %add3A_75, %mul3A_91 : vector<16xf32>
      %get3A_93 = arith.index_cast %scan3A_42 : i32 to index
      %get3A_94 = arith.constant 48 : index
      %get3A_95 = tpu.vector_load %arg8[%get3A_93, %get3A_94] {strides = array<i32>} : memref<144x256xf32, #tpu.memory_space<vmem>>, vector<1x16xf32>,
      %get3A_96 = vector.shape_cast %get3A_95 : vector<1x16xf32> to vector<16xf32>
      %get3A_97 = arith.index_cast %scan3A_42 : i32 to index
      %get3A_98 = arith.constant 48 : index
      %get3A_99 = tpu.vector_load %arg9[%get3A_97, %get3A_98] {strides = array<i32>} : memref<144x256xf32, #tpu.memory_space<vmem>>, vector<1x16xf32>,
      %get3A_100 = vector.shape_cast %get3A_99 : vector<1x16xf32> to vector<16xf32>
      %sub3A_101 = arith.subf %get3A_96, %get3A_100 : vector<16xf32>
      %add3A_102 = arith.addf %get3A_100, %sub3A_101 : vector<16xf32>
      %swap3A_103 = arith.index_cast %scan3A_42 : i32 to index
      %swap3A_104 = arith.constant 48 : index
      %swap3A_105 = tpu.vector_load %arg8[%swap3A_103, %swap3A_104] {strides = array<i32>} : memref<144x256xf32, #tpu.memory_space<vmem>>, vector<1x16xf32>,
      %swap3A_106 = vector.shape_cast %swap3A_105 : vector<1x16xf32> to vector<16xf32>
      %swap3A_107 = vector.shape_cast %add3A_102 : vector<16xf32> to vector<1x16xf32>
      tpu.vector_store %arg8[%swap3A_103, %swap3A_104], %swap3A_107 {strides = array<i32>} : memref<144x256xf32, #tpu.memory_space<vmem>>, vector<1x16xf32>,
      %mul3A_108 = arith.mulf %sub3A_101, %sub3A_101 : vector<16xf32>
      %add3A_109 = arith.addf %add3A_92, %mul3A_108 : vector<16xf32>
      %get3A_110 = arith.index_cast %scan3A_42 : i32 to index
      %get3A_111 = arith.constant 64 : index
      %get3A_112 = tpu.vector_load %arg8[%get3A_110, %get3A_111] {strides = array<i32>} : memref<144x256xf32, #tpu.memory_space<vmem>>, vector<1x16xf32>,
      %get3A_113 = vector.shape_cast %get3A_112 : vector<1x16xf32> to vector<16xf32>
      %get3A_114 = arith.index_cast %scan3A_42 : i32 to index
      %get3A_115 = arith.constant 64 : index
      %get3A_116 = tpu.vector_load %arg9[%get3A_114, %get3A_115] {strides = array<i32>} : memref<144x256xf32, #tpu.memory_space<vmem>>, vector<1x16xf32>,
      %get3A_117 = vector.shape_cast %get3A_116 : vector<1x16xf32> to vector<16xf32>
      %sub3A_118 = arith.subf %get3A_113, %get3A_117 : vector<16xf32>
      %add3A_119 = arith.addf %get3A_117, %sub3A_118 : vector<16xf32>
      %swap3A_120 = arith.index_cast %scan3A_42 : i32 to index
      %swap3A_121 = arith.constant 64 : index
      %swap3A_122 = tpu.vector_load %arg8[%swap3A_120, %swap3A_121] {strides = array<i32>} : memref<144x256xf32, #tpu.memory_space<vmem>>, vector<1x16xf32>,
      %swap3A_123 = vector.shape_cast %swap3A_122 : vector<1x16xf32> to vector<16xf32>
      %swap3A_124 = vector.shape_cast %add3A_119 : vector<16xf32> to vector<1x16xf32>
      tpu.vector_store %arg8[%swap3A_120, %swap3A_121], %swap3A_124 {strides = array<i32>} : memref<144x256xf32, #tpu.memory_space<vmem>>, vector<1x16xf32>,
      %mul3A_125 = arith.mulf %sub3A_118, %sub3A_118 : vector<16xf32>
      %add3A_126 = arith.addf %add3A_109, %mul3A_125 : vector<16xf32>
      %get3A_127 = arith.index_cast %scan3A_42 : i32 to index
      %get3A_128 = arith.constant 80 : index
      %get3A_129 = tpu.vector_load %arg8[%get3A_127, %get3A_128] {strides = array<i32>} : memref<144x256xf32, #tpu.memory_space<vmem>>, vector<1x16xf32>,
      %get3A_130 = vector.shape_cast %get3A_129 : vector<1x16xf32> to vector<16xf32>
      %get3A_131 = arith.index_cast %scan3A_42 : i32 to index
      %get3A_132 = arith.constant 80 : index
      %get3A_133 = tpu.vector_load %arg9[%get3A_131, %get3A_132] {strides = array<i32>} : memref<144x256xf32, #tpu.memory_space<vmem>>, vector<1x16xf32>,
      %get3A_134 = vector.shape_cast %get3A_133 : vector<1x16xf32> to vector<16xf32>
      %sub3A_135 = arith.subf %get3A_130, %get3A_134 : vector<16xf32>
      %add3A_136 = arith.addf %get3A_134, %sub3A_135 : vector<16xf32>
      %swap3A_137 = arith.index_cast %scan3A_42 : i32 to index
      %swap3A_138 = arith.constant 80 : index
      %swap3A_139 = tpu.vector_load %arg8[%swap3A_137, %swap3A_138] {strides = array<i32>} : memref<144x256xf32, #tpu.memory_space<vmem>>, vector<1x16xf32>,
      %swap3A_140 = vector.shape_cast %swap3A_139 : vector<1x16xf32> to vector<16xf32>
      %swap3A_141 = vector.shape_cast %add3A_136 : vector<16xf32> to vector<1x16xf32>
      tpu.vector_store %arg8[%swap3A_137, %swap3A_138], %swap3A_141 {strides = array<i32>} : memref<144x256xf32, #tpu.memory_space<vmem>>, vector<1x16xf32>,
      %mul3A_142 = arith.mulf %sub3A_135, %sub3A_135 : vector<16xf32>
      %add3A_143 = arith.addf %add3A_126, %mul3A_142 : vector<16xf32>
      %get3A_144 = arith.index_cast %scan3A_42 : i32 to index
      %get3A_145 = arith.constant 96 : index
      %get3A_146 = tpu.vector_load %arg8[%get3A_144, %get3A_145] {strides = array<i32>} : memref<144x256xf32, #tpu.memory_space<vmem>>, vector<1x16xf32>,
      %get3A_147 = vector.shape_cast %get3A_146 : vector<1x16xf32> to vector<16xf32>
      %get3A_148 = arith.index_cast %scan3A_42 : i32 to index
      %get3A_149 = arith.constant 96 : index
      %get3A_150 = tpu.vector_load %arg9[%get3A_148, %get3A_149] {strides = array<i32>} : memref<144x256xf32, #tpu.memory_space<vmem>>, vector<1x16xf32>,
      %get3A_151 = vector.shape_cast %get3A_150 : vector<1x16xf32> to vector<16xf32>
      %sub3A_152 = arith.subf %get3A_147, %get3A_151 : vector<16xf32>
      %add3A_153 = arith.addf %get3A_151, %sub3A_152 : vector<16xf32>
      %swap3A_154 = arith.index_cast %scan3A_42 : i32 to index
      %swap3A_155 = arith.constant 96 : index
      %swap3A_156 = tpu.vector_load %arg8[%swap3A_154, %swap3A_155] {strides = array<i32>} : memref<144x256xf32, #tpu.memory_space<vmem>>, vector<1x16xf32>,
      %swap3A_157 = vector.shape_cast %swap3A_156 : vector<1x16xf32> to vector<16xf32>
      %swap3A_158 = vector.shape_cast %add3A_153 : vector<16xf32> to vector<1x16xf32>
      tpu.vector_store %arg8[%swap3A_154, %swap3A_155], %swap3A_158 {strides = array<i32>} : memref<144x256xf32, #tpu.memory_space<vmem>>, vector<1x16xf32>,
      %mul3A_159 = arith.mulf %sub3A_152, %sub3A_152 : vector<16xf32>
      %add3A_160 = arith.addf %add3A_143, %mul3A_159 : vector<16xf32>
      %get3A_161 = arith.index_cast %scan3A_42 : i32 to index
      %get3A_162 = arith.constant 112 : index
      %get3A_163 = tpu.vector_load %arg8[%get3A_161, %get3A_162] {strides = array<i32>} : memref<144x256xf32, #tpu.memory_space<vmem>>, vector<1x16xf32>,
      %get3A_164 = vector.shape_cast %get3A_163 : vector<1x16xf32> to vector<16xf32>
      %get3A_165 = arith.index_cast %scan3A_42 : i32 to index
      %get3A_166 = arith.constant 112 : index
      %get3A_167 = tpu.vector_load %arg9[%get3A_165, %get3A_166] {strides = array<i32>} : memref<144x256xf32, #tpu.memory_space<vmem>>, vector<1x16xf32>,
      %get3A_168 = vector.shape_cast %get3A_167 : vector<1x16xf32> to vector<16xf32>
      %sub3A_169 = arith.subf %get3A_164, %get3A_168 : vector<16xf32>
      %add3A_170 = arith.addf %get3A_168, %sub3A_169 : vector<16xf32>
      %swap3A_171 = arith.index_cast %scan3A_42 : i32 to index
      %swap3A_172 = arith.constant 112 : index
      %swap3A_173 = tpu.vector_load %arg8[%swap3A_171, %swap3A_172] {strides = array<i32>} : memref<144x256xf32, #tpu.memory_space<vmem>>, vector<1x16xf32>,
      %swap3A_174 = vector.shape_cast %swap3A_173 : vector<1x16xf32> to vector<16xf32>
      %swap3A_175 = vector.shape_cast %add3A_170 : vector<16xf32> to vector<1x16xf32>
      tpu.vector_store %arg8[%swap3A_171, %swap3A_172], %swap3A_175 {strides = array<i32>} : memref<144x256xf32, #tpu.memory_space<vmem>>, vector<1x16xf32>,
      %mul3A_176 = arith.mulf %sub3A_169, %sub3A_169 : vector<16xf32>
      %add3A_177 = arith.addf %add3A_160, %mul3A_176 : vector<16xf32>
      %get3A_178 = arith.index_cast %scan3A_42 : i32 to index
      %get3A_179 = arith.constant 128 : index
      %get3A_180 = tpu.vector_load %arg8[%get3A_178, %get3A_179] {strides = array<i32>} : memref<144x256xf32, #tpu.memory_space<vmem>>, vector<1x16xf32>,
      %get3A_181 = vector.shape_cast %get3A_180 : vector<1x16xf32> to vector<16xf32>
      %get3A_182 = arith.index_cast %scan3A_42 : i32 to index
      %get3A_183 = arith.constant 128 : index
      %get3A_184 = tpu.vector_load %arg9[%get3A_182, %get3A_183] {strides = array<i32>} : memref<144x256xf32, #tpu.memory_space<vmem>>, vector<1x16xf32>,
      %get3A_185 = vector.shape_cast %get3A_184 : vector<1x16xf32> to vector<16xf32>
      %sub3A_186 = arith.subf %get3A_181, %get3A_185 : vector<16xf32>
      %add3A_187 = arith.addf %get3A_185, %sub3A_186 : vector<16xf32>
      %swap3A_188 = arith.index_cast %scan3A_42 : i32 to index
      %swap3A_189 = arith.constant 128 : index
      %swap3A_190 = tpu.vector_load %arg8[%swap3A_188, %swap3A_189] {strides = array<i32>} : memref<144x256xf32, #tpu.memory_space<vmem>>, vector<1x16xf32>,
      %swap3A_191 = vector.shape_cast %swap3A_190 : vector<1x16xf32> to vector<16xf32>
      %swap3A_192 = vector.shape_cast %add3A_187 : vector<16xf32> to vector<1x16xf32>
      tpu.vector_store %arg8[%swap3A_188, %swap3A_189], %swap3A_192 {strides = array<i32>} : memref<144x256xf32, #tpu.memory_space<vmem>>, vector<1x16xf32>,
      %mul3A_193 = arith.mulf %sub3A_186, %sub3A_186 : vector<16xf32>
      %add3A_194 = arith.addf %add3A_177, %mul3A_193 : vector<16xf32>
      %get3A_195 = arith.index_cast %scan3A_42 : i32 to index
      %get3A_196 = arith.constant 144 : index
      %get3A_197 = tpu.vector_load %arg8[%get3A_195, %get3A_196] {strides = array<i32>} : memref<144x256xf32, #tpu.memory_space<vmem>>, vector<1x16xf32>,
      %get3A_198 = vector.shape_cast %get3A_197 : vector<1x16xf32> to vector<16xf32>
      %get3A_199 = arith.index_cast %scan3A_42 : i32 to index
      %get3A_200 = arith.constant 144 : index
      %get3A_201 = tpu.vector_load %arg9[%get3A_199, %get3A_200] {strides = array<i32>} : memref<144x256xf32, #tpu.memory_space<vmem>>, vector<1x16xf32>,
      %get3A_202 = vector.shape_cast %get3A_201 : vector<1x16xf32> to vector<16xf32>
      %sub3A_203 = arith.subf %get3A_198, %get3A_202 : vector<16xf32>
      %add3A_204 = arith.addf %get3A_202, %sub3A_203 : vector<16xf32>
      %swap3A_205 = arith.index_cast %scan3A_42 : i32 to index
      %swap3A_206 = arith.constant 144 : index
      %swap3A_207 = tpu.vector_load %arg8[%swap3A_205, %swap3A_206] {strides = array<i32>} : memref<144x256xf32, #tpu.memory_space<vmem>>, vector<1x16xf32>,
      %swap3A_208 = vector.shape_cast %swap3A_207 : vector<1x16xf32> to vector<16xf32>
      %swap3A_209 = vector.shape_cast %add3A_204 : vector<16xf32> to vector<1x16xf32>
      tpu.vector_store %arg8[%swap3A_205, %swap3A_206], %swap3A_209 {strides = array<i32>} : memref<144x256xf32, #tpu.memory_space<vmem>>, vector<1x16xf32>,
      %mul3A_210 = arith.mulf %sub3A_203, %sub3A_203 : vector<16xf32>
      %add3A_211 = arith.addf %add3A_194, %mul3A_210 : vector<16xf32>
      %get3A_212 = arith.index_cast %scan3A_42 : i32 to index
      %get3A_213 = arith.constant 160 : index
      %get3A_214 = tpu.vector_load %arg8[%get3A_212, %get3A_213] {strides = array<i32>} : memref<144x256xf32, #tpu.memory_space<vmem>>, vector<1x16xf32>,
      %get3A_215 = vector.shape_cast %get3A_214 : vector<1x16xf32> to vector<16xf32>
      %get3A_216 = arith.index_cast %scan3A_42 : i32 to index
      %get3A_217 = arith.constant 160 : index
      %get3A_218 = tpu.vector_load %arg9[%get3A_216, %get3A_217] {strides = array<i32>} : memref<144x256xf32, #tpu.memory_space<vmem>>, vector<1x16xf32>,
      %get3A_219 = vector.shape_cast %get3A_218 : vector<1x16xf32> to vector<16xf32>
      %sub3A_220 = arith.subf %get3A_215, %get3A_219 : vector<16xf32>
      %add3A_221 = arith.addf %get3A_219, %sub3A_220 : vector<16xf32>
      %swap3A_222 = arith.index_cast %scan3A_42 : i32 to index
      %swap3A_223 = arith.constant 160 : index
      %swap3A_224 = tpu.vector_load %arg8[%swap3A_222, %swap3A_223] {strides = array<i32>} : memref<144x256xf32, #tpu.memory_space<vmem>>, vector<1x16xf32>,
      %swap3A_225 = vector.shape_cast %swap3A_224 : vector<1x16xf32> to vector<16xf32>
      %swap3A_226 = vector.shape_cast %add3A_221 : vector<16xf32> to vector<1x16xf32>
      tpu.vector_store %arg8[%swap3A_222, %swap3A_223], %swap3A_226 {strides = array<i32>} : memref<144x256xf32, #tpu.memory_space<vmem>>, vector<1x16xf32>,
      %mul3A_227 = arith.mulf %sub3A_220, %sub3A_220 : vector<16xf32>
      %add3A_228 = arith.addf %add3A_211, %mul3A_227 : vector<16xf32>
      %get3A_229 = arith.index_cast %scan3A_42 : i32 to index
      %get3A_230 = arith.constant 176 : index
      %get3A_231 = tpu.vector_load %arg8[%get3A_229, %get3A_230] {strides = array<i32>} : memref<144x256xf32, #tpu.memory_space<vmem>>, vector<1x16xf32>,
      %get3A_232 = vector.shape_cast %get3A_231 : vector<1x16xf32> to vector<16xf32>
      %get3A_233 = arith.index_cast %scan3A_42 : i32 to index
      %get3A_234 = arith.constant 176 : index
      %get3A_235 = tpu.vector_load %arg9[%get3A_233, %get3A_234] {strides = array<i32>} : memref<144x256xf32, #tpu.memory_space<vmem>>, vector<1x16xf32>,
      %get3A_236 = vector.shape_cast %get3A_235 : vector<1x16xf32> to vector<16xf32>
      %sub3A_237 = arith.subf %get3A_232, %get3A_236 : vector<16xf32>
      %add3A_238 = arith.addf %get3A_236, %sub3A_237 : vector<16xf32>
      %swap3A_239 = arith.index_cast %scan3A_42 : i32 to index
      %swap3A_240 = arith.constant 176 : index
      %swap3A_241 = tpu.vector_load %arg8[%swap3A_239, %swap3A_240] {strides = array<i32>} : memref<144x256xf32, #tpu.memory_space<vmem>>, vector<1x16xf32>,
      %swap3A_242 = vector.shape_cast %swap3A_241 : vector<1x16xf32> to vector<16xf32>
      %swap3A_243 = vector.shape_cast %add3A_238 : vector<16xf32> to vector<1x16xf32>
      tpu.vector_store %arg8[%swap3A_239, %swap3A_240], %swap3A_243 {strides = array<i32>} : memref<144x256xf32, #tpu.memory_space<vmem>>, vector<1x16xf32>,
      %mul3A_244 = arith.mulf %sub3A_237, %sub3A_237 : vector<16xf32>
      %add3A_245 = arith.addf %add3A_228, %mul3A_244 : vector<16xf32>
      %get3A_246 = arith.index_cast %scan3A_42 : i32 to index
      %get3A_247 = arith.constant 192 : index
      %get3A_248 = tpu.vector_load %arg8[%get3A_246, %get3A_247] {strides = array<i32>} : memref<144x256xf32, #tpu.memory_space<vmem>>, vector<1x16xf32>,
      %get3A_249 = vector.shape_cast %get3A_248 : vector<1x16xf32> to vector<16xf32>
      %get3A_250 = arith.index_cast %scan3A_42 : i32 to index
      %get3A_251 = arith.constant 192 : index
      %get3A_252 = tpu.vector_load %arg9[%get3A_250, %get3A_251] {strides = array<i32>} : memref<144x256xf32, #tpu.memory_space<vmem>>, vector<1x16xf32>,
      %get3A_253 = vector.shape_cast %get3A_252 : vector<1x16xf32> to vector<16xf32>
      %sub3A_254 = arith.subf %get3A_249, %get3A_253 : vector<16xf32>
      %add3A_255 = arith.addf %get3A_253, %sub3A_254 : vector<16xf32>
      %swap3A_256 = arith.index_cast %scan3A_42 : i32 to index
      %swap3A_257 = arith.constant 192 : index
      %swap3A_258 = tpu.vector_load %arg8[%swap3A_256, %swap3A_257] {strides = array<i32>} : memref<144x256xf32, #tpu.memory_space<vmem>>, vector<1x16xf32>,
      %swap3A_259 = vector.shape_cast %swap3A_258 : vector<1x16xf32> to vector<16xf32>
      %swap3A_260 = vector.shape_cast %add3A_255 : vector<16xf32> to vector<1x16xf32>
      tpu.vector_store %arg8[%swap3A_256, %swap3A_257], %swap3A_260 {strides = array<i32>} : memref<144x256xf32, #tpu.memory_space<vmem>>, vector<1x16xf32>,
      %mul3A_261 = arith.mulf %sub3A_254, %sub3A_254 : vector<16xf32>
      %add3A_262 = arith.addf %add3A_245, %mul3A_261 : vector<16xf32>
      %get3A_263 = arith.index_cast %scan3A_42 : i32 to index
      %get3A_264 = arith.constant 208 : index
      %get3A_265 = tpu.vector_load %arg8[%get3A_263, %get3A_264] {strides = array<i32>} : memref<144x256xf32, #tpu.memory_space<vmem>>, vector<1x16xf32>,
      %get3A_266 = vector.shape_cast %get3A_265 : vector<1x16xf32> to vector<16xf32>
      %get3A_267 = arith.index_cast %scan3A_42 : i32 to index
      %get3A_268 = arith.constant 208 : index
      %get3A_269 = tpu.vector_load %arg9[%get3A_267, %get3A_268] {strides = array<i32>} : memref<144x256xf32, #tpu.memory_space<vmem>>, vector<1x16xf32>,
      %get3A_270 = vector.shape_cast %get3A_269 : vector<1x16xf32> to vector<16xf32>
      %sub3A_271 = arith.subf %get3A_266, %get3A_270 : vector<16xf32>
      %add3A_272 = arith.addf %get3A_270, %sub3A_271 : vector<16xf32>
      %swap3A_273 = arith.index_cast %scan3A_42 : i32 to index
      %swap3A_274 = arith.constant 208 : index
      %swap3A_275 = tpu.vector_load %arg8[%swap3A_273, %swap3A_274] {strides = array<i32>} : memref<144x256xf32, #tpu.memory_space<vmem>>, vector<1x16xf32>,
      %swap3A_276 = vector.shape_cast %swap3A_275 : vector<1x16xf32> to vector<16xf32>
      %swap3A_277 = vector.shape_cast %add3A_272 : vector<16xf32> to vector<1x16xf32>
      tpu.vector_store %arg8[%swap3A_273, %swap3A_274], %swap3A_277 {strides = array<i32>} : memref<144x256xf32, #tpu.memory_space<vmem>>, vector<1x16xf32>,
      %mul3A_278 = arith.mulf %sub3A_271, %sub3A_271 : vector<16xf32>
      %add3A_279 = arith.addf %add3A_262, %mul3A_278 : vector<16xf32>
      %get3A_280 = arith.index_cast %scan3A_42 : i32 to index
      %get3A_281 = arith.constant 224 : index
      %get3A_282 = tpu.vector_load %arg8[%get3A_280, %get3A_281] {strides = array<i32>} : memref<144x256xf32, #tpu.memory_space<vmem>>, vector<1x16xf32>,
      %get3A_283 = vector.shape_cast %get3A_282 : vector<1x16xf32> to vector<16xf32>
      %get3A_284 = arith.index_cast %scan3A_42 : i32 to index
      %get3A_285 = arith.constant 224 : index
      %get3A_286 = tpu.vector_load %arg9[%get3A_284, %get3A_285] {strides = array<i32>} : memref<144x256xf32, #tpu.memory_space<vmem>>, vector<1x16xf32>,
      %get3A_287 = vector.shape_cast %get3A_286 : vector<1x16xf32> to vector<16xf32>
      %sub3A_288 = arith.subf %get3A_283, %get3A_287 : vector<16xf32>
      %add3A_289 = arith.addf %get3A_287, %sub3A_288 : vector<16xf32>
      %swap3A_290 = arith.index_cast %scan3A_42 : i32 to index
      %swap3A_291 = arith.constant 224 : index
      %swap3A_292 = tpu.vector_load %arg8[%swap3A_290, %swap3A_291] {strides = array<i32>} : memref<144x256xf32, #tpu.memory_space<vmem>>, vector<1x16xf32>,
      %swap3A_293 = vector.shape_cast %swap3A_292 : vector<1x16xf32> to vector<16xf32>
      %swap3A_294 = vector.shape_cast %add3A_289 : vector<16xf32> to vector<1x16xf32>
      tpu.vector_store %arg8[%swap3A_290, %swap3A_291], %swap3A_294 {strides = array<i32>} : memref<144x256xf32, #tpu.memory_space<vmem>>, vector<1x16xf32>,
      %mul3A_295 = arith.mulf %sub3A_288, %sub3A_288 : vector<16xf32>
      %add3A_296 = arith.addf %add3A_279, %mul3A_295 : vector<16xf32>
      %get3A_297 = arith.index_cast %scan3A_42 : i32 to index
      %get3A_298 = arith.constant 240 : index
      %get3A_299 = tpu.vector_load %arg8[%get3A_297, %get3A_298] {strides = array<i32>} : memref<144x256xf32, #tpu.memory_space<vmem>>, vector<1x16xf32>,
      %get3A_300 = vector.shape_cast %get3A_299 : vector<1x16xf32> to vector<16xf32>
      %get3A_301 = arith.index_cast %scan3A_42 : i32 to index
      %get3A_302 = arith.constant 240 : index
      %get3A_303 = tpu.vector_load %arg9[%get3A_301, %get3A_302] {strides = array<i32>} : memref<144x256xf32, #tpu.memory_space<vmem>>, vector<1x16xf32>,
      %get3A_304 = vector.shape_cast %get3A_303 : vector<1x16xf32> to vector<16xf32>
      %sub3A_305 = arith.subf %get3A_300, %get3A_304 : vector<16xf32>
      %add3A_306 = arith.addf %get3A_304, %sub3A_305 : vector<16xf32>
      %swap3A_307 = arith.index_cast %scan3A_42 : i32 to index
      %swap3A_308 = arith.constant 240 : index
      %swap3A_309 = tpu.vector_load %arg8[%swap3A_307, %swap3A_308] {strides = array<i32>} : memref<144x256xf32, #tpu.memory_space<vmem>>, vector<1x16xf32>,
      %swap3A_310 = vector.shape_cast %swap3A_309 : vector<1x16xf32> to vector<16xf32>
      %swap3A_311 = vector.shape_cast %add3A_306 : vector<16xf32> to vector<1x16xf32>
      tpu.vector_store %arg8[%swap3A_307, %swap3A_308], %swap3A_311 {strides = array<i32>} : memref<144x256xf32, #tpu.memory_space<vmem>>, vector<1x16xf32>,
      %mul3A_312 = arith.mulf %sub3A_305, %sub3A_305 : vector<16xf32>
      %add3A_313 = arith.addf %add3A_296, %mul3A_312 : vector<16xf32>
      scf.yield %add3A_313 : vector<16xf32>
    }
    %scan3A_38 = arith.constant 144 : i32
    %swap3A = arith.constant 0 : index
    %swap3A_39 = tpu.vector_load %arg10[%swap3A] {strides = array<i32>} : memref<16xf32, #tpu.memory_space<vmem>>, vector<16xf32>,
    %swap3A_40 = vector.shape_cast %swap3A_39 : vector<16xf32> to vector<16xf32>
    %swap3A_41 = vector.shape_cast %scan3A_37 : vector<16xf32> to vector<16xf32>
    tpu.vector_store %arg10[%swap3A], %swap3A_41 {strides = array<i32>} : memref<16xf32, #tpu.memory_space<vmem>>, vector<16xf32>,
    "tpu.region"() ({
      %run_scoped3A = tpu.sem_alloc : memref<!tpu.dma_semaphore, #tpu.memory_space<semaphore_mem>>
      %dma_start3A_42 = arith.constant 0 : i32
      %dma_start3A_43 = tpu.memref_slice %arg5[%mul3A_2, %dma_start3A_42] : memref<4608x256xf32, #tpu.memory_space<hbm>> -> memref<144x256xf32, #tpu.memory_space<hbm>>
      %dma_start3A_44 = arith.constant 0 : i32
      %dma_start3A_45 = tpu.memref_slice %arg5[%mul3A_2, %dma_start3A_44] : memref<4608x256xf32, #tpu.memory_space<hbm>> -> memref<144x256xf32, #tpu.memory_space<hbm>>
      tpu.enqueue_dma source(%arg8 : memref<144x256xf32, #tpu.memory_space<vmem>>) target(%dma_start3A_45 : memref<144x256xf32, #tpu.memory_space<hbm>>) target_semaphore(%run_scoped3A : memref<!tpu.dma_semaphore, #tpu.memory_space<semaphore_mem>>)
      %dma_wait3A_46 = arith.constant 0 : i32
      %dma_wait3A_47 = tpu.memref_slice %arg5[%mul3A_2, %dma_wait3A_46] : memref<4608x256xf32, #tpu.memory_space<hbm>> -> memref<144x256xf32, #tpu.memory_space<hbm>>
      %dma_wait3A_48 = arith.constant 0 : i32
      %dma_wait3A_49 = tpu.memref_slice %arg5[%mul3A_2, %dma_wait3A_48] : memref<4608x256xf32, #tpu.memory_space<hbm>> -> memref<144x256xf32, #tpu.memory_space<hbm>>
      tpu.wait_dma2 semaphore(%run_scoped3A : memref<!tpu.dma_semaphore, #tpu.memory_space<semaphore_mem>>) src(%arg8 : memref<144x256xf32, #tpu.memory_space<vmem>>) dst(%dma_wait3A_49 : memref<144x256xf32, #tpu.memory_space<hbm>>)
      tpu.yield
    }) : () -> ()
    "tpu.region"() ({
      %run_scoped3A = tpu.sem_alloc : memref<!tpu.dma_semaphore, #tpu.memory_space<semaphore_mem>>
      %dma_start3A_42 = arith.constant 0 : i32
      %dma_start3A_43 = tpu.memref_slice %arg6[%add3A, %dma_start3A_42] : memref<32x16xf32, #tpu.memory_space<hbm>> -> memref<1x16xf32, #tpu.memory_space<hbm>>
      %dma_start3A_44 = tpu.memref_squeeze %dma_start3A_43 : memref<1x16xf32, #tpu.memory_space<hbm>> -> memref<16xf32, #tpu.memory_space<hbm>>
      %dma_start3A_45 = arith.constant 0 : i32
      %dma_start3A_46 = tpu.memref_slice %arg6[%add3A, %dma_start3A_45] : memref<32x16xf32, #tpu.memory_space<hbm>> -> memref<1x16xf32, #tpu.memory_space<hbm>>
      %dma_start3A_47 = tpu.memref_squeeze %dma_start3A_46 : memref<1x16xf32, #tpu.memory_space<hbm>> -> memref<16xf32, #tpu.memory_space<hbm>>
      tpu.enqueue_dma source(%arg10 : memref<16xf32, #tpu.memory_space<vmem>>) target(%dma_start3A_47 : memref<16xf32, #tpu.memory_space<hbm>>) target_semaphore(%run_scoped3A : memref<!tpu.dma_semaphore, #tpu.memory_space<semaphore_mem>>)
      %dma_wait3A_48 = arith.constant 0 : i32
      %dma_wait3A_49 = tpu.memref_slice %arg6[%add3A, %dma_wait3A_48] : memref<32x16xf32, #tpu.memory_space<hbm>> -> memref<1x16xf32, #tpu.memory_space<hbm>>
      %dma_wait3A_50 = tpu.memref_squeeze %dma_wait3A_49 : memref<1x16xf32, #tpu.memory_space<hbm>> -> memref<16xf32, #tpu.memory_space<hbm>>
      %dma_wait3A_51 = arith.constant 0 : i32
      %dma_wait3A_52 = tpu.memref_slice %arg6[%add3A, %dma_wait3A_51] : memref<32x16xf32, #tpu.memory_space<hbm>> -> memref<1x16xf32, #tpu.memory_space<hbm>>
      %dma_wait3A_53 = tpu.memref_squeeze %dma_wait3A_52 : memref<1x16xf32, #tpu.memory_space<hbm>> -> memref<16xf32, #tpu.memory_space<hbm>>
      tpu.wait_dma2 semaphore(%run_scoped3A : memref<!tpu.dma_semaphore, #tpu.memory_space<semaphore_mem>>) src(%arg10 : memref<16xf32, #tpu.memory_space<vmem>>) dst(%dma_wait3A_53 : memref<16xf32, #tpu.memory_space<hbm>>)
      tpu.yield
    }) : () -> ()
    return
  }
}

module attributes {stable_mosaic.version = 14 : i64} {
  func.func @_dist_argmin_body(%arg0: i32, %arg1: memref<1152x256xf32, #tpu.memory_space<vmem>>, %arg2: memref<1024x256xf32, #tpu.memory_space<vmem>>, %arg3: memref<1x1024xf32, #tpu.memory_space<vmem>>, %arg4: memref<1x1x1152xi32, #tpu.memory_space<vmem>>) attributes {dimension_semantics = [#tpu.dimension_semantics<arbitrary>], iteration_bounds = array<i64: 4>, scalar_prefetch = 0 : i64, scratch_operands = 0 : i64, tpu.core_type = #tpu.core_type<tc>, window_params = [{transform_indices = @transform_0, window_bounds = array<i64: 1152, 256>}, {pipeline_mode = #tpu.pipeline_mode<synchronous>, transform_indices = @transform_1, window_bounds = array<i64: 1024, 256>}, {pipeline_mode = #tpu.pipeline_mode<synchronous>, transform_indices = @transform_2, window_bounds = array<i64: 1, 1024>}, {transform_indices = @transform_3, window_bounds = array<i64: 1, 1, 1152>}]} {
    %get3A = arith.constant 0 : index
    %get3A_0 = arith.constant 0 : index
    %get3A_1 = vector.load %arg1[%get3A, %get3A_0] : memref<1152x256xf32, #tpu.memory_space<vmem>>, vector<1152x256xf32>
    %get3A_2 = arith.constant 0 : index
    %get3A_3 = arith.constant 0 : index
    %get3A_4 = vector.load %arg2[%get3A_2, %get3A_3] : memref<1024x256xf32, #tpu.memory_space<vmem>>, vector<1024x256xf32>
    %get3A_5 = arith.constant 0 : index
    %get3A_6 = arith.constant 0 : index
    %get3A_7 = vector.load %arg3[%get3A_5, %get3A_6] : memref<1x1024xf32, #tpu.memory_space<vmem>>, vector<1x1024xf32>
    %mul3A = arith.mulf %get3A_1, %get3A_1 : vector<1152x256xf32>
    %reduce_sum3A = arith.constant dense<0.000000e+00> : vector<1152xf32>
    %reduce_sum3A_8 = vector.multi_reduction <add>, %mul3A, %reduce_sum3A [1] : vector<1152x256xf32> to vector<1152xf32>
    %broadcast_in_dim3A = vector.shape_cast %reduce_sum3A_8 : vector<1152xf32> to vector<1152x1xf32>
    %convert_element_type3A = arith.truncf %get3A_1 : vector<1152x256xf32> to vector<1152x256xbf16>
    %convert_element_type3A_9 = arith.truncf %get3A_4 : vector<1024x256xf32> to vector<1024x256xbf16>
    %dot_general3A = arith.constant dense<0.000000e+00> : vector<1152x1024xf32>
    %dot_general3A_10 = tpu.matmul %convert_element_type3A, %convert_element_type3A_9, %dot_general3A {dimension_numbers = #tpu.dot_dimension_numbers<[1], [1], [0], [0], [0, 0, 1, 0], [], []>, transpose_lhs_hint = false} : vector<1152x256xbf16>, vector<1024x256xbf16>, vector<1152x1024xf32> -> vector<1152x1024xf32>
    %mul3A_11 = arith.constant 2.000000e+00 : f32
    %mul3A_12 = vector.broadcast %mul3A_11 : f32 to vector<1152x1024xf32>
    %mul3A_13 = arith.mulf %mul3A_12, %dot_general3A_10 : vector<1152x1024xf32>
    %sub3A = vector.broadcast %broadcast_in_dim3A : vector<1152x1xf32> to vector<1152x1024xf32>
    %sub3A_14 = arith.subf %sub3A, %mul3A_13 : vector<1152x1024xf32>
    %add3A = vector.broadcast %get3A_7 : vector<1x1024xf32> to vector<1152x1024xf32>
    %add3A_15 = arith.addf %sub3A_14, %add3A : vector<1152x1024xf32>
    %iota3A = tpu.iota {dimensions = array<i32: 1>} : vector<1152x1024xi32>
    %convert_element_type3A_16 = arith.sitofp %iota3A : vector<1152x1024xi32> to vector<1152x1024xf32>
    %reduce_min3A = arith.constant dense<0x7F800000> : vector<1152xf32>
    %reduce_min3A_17 = vector.multi_reduction <minimumf>, %add3A_15, %reduce_min3A [1] : vector<1152x1024xf32> to vector<1152xf32>
    %broadcast_in_dim3A_18 = vector.shape_cast %reduce_min3A_17 : vector<1152xf32> to vector<1152x1xf32>
    %eq3A = vector.broadcast %broadcast_in_dim3A_18 : vector<1152x1xf32> to vector<1152x1024xf32>
    %eq3A_19 = arith.cmpf oeq, %add3A_15, %eq3A : vector<1152x1024xf32>
    %jit3A = arith.constant 1.024000e+03 : f32
    %broadcast_in_dim3A_20 = vector.broadcast %jit3A : f32 to vector<1152x1024xf32>
    %select_n3A = arith.select %eq3A_19, %convert_element_type3A_16, %broadcast_in_dim3A_20 : vector<1152x1024xi1>, vector<1152x1024xf32>
    %reduce_min3A_21 = arith.constant dense<0x7F800000> : vector<1152xf32>
    %reduce_min3A_22 = vector.multi_reduction <minimumf>, %select_n3A, %reduce_min3A_21 [1] : vector<1152x1024xf32> to vector<1152xf32>
    %convert_element_type3A_23 = arith.fptosi %reduce_min3A_22 : vector<1152xf32> to vector<1152xi32>
    %swap3A = arith.constant 0 : index
    %swap3A_24 = arith.constant 0 : index
    %swap3A_25 = arith.constant 0 : index
    %swap3A_26 = vector.load %arg4[%swap3A, %swap3A_24, %swap3A_25] : memref<1x1x1152xi32, #tpu.memory_space<vmem>>, vector<1x1x1152xi32>
    %swap3A_27 = vector.shape_cast %swap3A_26 : vector<1x1x1152xi32> to vector<1152xi32>
    %swap3A_28 = vector.shape_cast %convert_element_type3A_23 : vector<1152xi32> to vector<1x1x1152xi32>
    tpu.vector_store %arg4[%swap3A, %swap3A_24, %swap3A_25], %swap3A_28 {strides = array<i32>} : memref<1x1x1152xi32, #tpu.memory_space<vmem>>, vector<1x1x1152xi32>,
    return
  }
  func.func @transform_0(%arg0: i32) -> (i32, i32) {
    %c0_i32 = arith.constant 0 : i32
    %c0_i32_0 = arith.constant 0 : i32
    return %arg0, %c0_i32 : i32, i32
  }
  func.func @transform_1(%arg0: i32) -> (i32, i32) {
    %c0_i32 = arith.constant 0 : i32
    %c0_i32_0 = arith.constant 0 : i32
    %c0_i32_1 = arith.constant 0 : i32
    return %c0_i32, %c0_i32_0 : i32, i32
  }
  func.func @transform_2(%arg0: i32) -> (i32, i32) {
    %c0_i32 = arith.constant 0 : i32
    %c0_i32_0 = arith.constant 0 : i32
    %c0_i32_1 = arith.constant 0 : i32
    return %c0_i32, %c0_i32_0 : i32, i32
  }
  func.func @transform_3(%arg0: i32) -> (i32, i32, i32) {
    %c0_i32 = arith.constant 0 : i32
    %c0_i32_0 = arith.constant 0 : i32
    %c0_i32_1 = arith.constant 0 : i32
    return %arg0, %c0_i32, %c0_i32_0 : i32, i32, i32
  }
}

</mosaic_0001>

<sc_bundles>
// kernel: kernel.4.cloned.1.call-start
scs
__scs_entry_jumppad:
0x0: {  	(pc) =	sbr.rel $0x88, $3  }
0x1: {  	(tag) =	ssettag $0x0;
	lr =	simm.s32 $0x1  }
0x2: {  	[smem:$0x3F9F] =	sst lr;
	_ =	strace $0xD0000000  }
0x3: {  	_ = 	snop  }
0x4: {  	_ = 	snop  }
0x5: {  	_ = 	snop  }
0x6: {  	_ = 	snop  }
0x7: {  	_ = 	snop  }
__scs_overlays_trampoline_lowered:
0x8: {  	[smem:$0x3FAE] =	sst s0  }
0x9: {  	[smem:$0x3FAF] =	sst s1  }
0xa: {  	[smem:$0x3FB0] =	sst s2  }
0xb: {  	[smem:$0x3FB1] =	sst s3  }
0xc: {  	[smem:$0x3FB2] =	sst s4  }
0xd: {  	[smem:$0x3FB3] =	sst s5  }
0xe: {  	[smem:$0x3FB4] =	sst s6  }
0xf: {  	[smem:$0x3FB5] =	sst s7  }
0x10: {  	[smem:$0x3FB6] =	sst s8  }
0x11: {  	[smem:$0x3FB7] =	sst s9;
	s0 =	simm.s32 @!p0 $0x0  }
0x12: {  	s1 =	sld [smem:$0x3F9D];
	s0 =	simm.s32 @p0 $0x1  }
0x13: {  	[smem:$0x3FB8] =	sst s0;
	s0 =	simm.s32 @!p1 $0x0  }
0x14: {  	s2 =	sld [smem:$0x3F9C];
	s0 =	simm.s32 @p1 $0x1  }
0x15: {  	[smem:$0x3FB9] =	sst s0;
	s0 =	simm.s32 @!p2 $0x0  }
0x16: {  	s3 =	sld [smem:$0x3FDB];
	s0 =	simm.s32 @p2 $0x1  }
0x17: {  	s4 =	simm.s32 $0x1BF5;
	[smem:$0x3FBB] =	sst s0  }
0x18: {  	s0 =	sld [smem:$0x3F9E];
	_ =	swait.ge [sflag:s4], $0x0  }
0x19: {  	s7 =	sld [smem:$0x3F9F]  }
0x1a: {  	s8 =	sadd.s32 $0xFFFFE003, lr  }
0x1b: {  	s9 =	sadd.s32 $0xFFFFFEF7, lr;
	s5 =	simm.s32 $0xFFFFFFFF;
	p2 =	slt.u32 s8, $0xFFFFF086  }
0x1c: {  	p1 =	slt.u32 s9, $0xF7A;
	s5 =	simm.s32 @!p2 $0x0  }
0x1d: {  	s5 =	simm.s32 @p1 $0x1;
	p0 =	seq.s32 s7, s2  }
0x1e: {  	s7 =	smul.u32 @!p0 $0xF7A, s2;
	p2 =	seq.s32 @!p0 s5, $0x0  }
0x1f: {  	s9 =	smul.u32 $0xF7A, s1;
	s8 =	simm.s32 @!p0 $0x1BF5;
	p2 =	por !p2, p0  }
0x20: {  	[sflag:s8] =	ssyncset.s32 @!p0 $0xFFFFF086;
	s6 =	sadd.s32 @!p0 s3, s7;
	s7 =	simm.s32 @!p0 $0x108  }
0x21: {  	s3 =	sadd.s32 s3, s9;
	s6 =	sadd.s32 @!p0 $0x88, s6;
	s7 =	simm.s32 @p2 $0x1082  }
0x22: {  	[simem:s7], [sflag:s8] =	dma.local @!p0 [hbm:s6], $0xF7A  }
0x23: {  	s9 =	sor.u32 $0xD0000000, s2;
	s6 =	simm.s32 $0x108;
	_ =	swait.ge @!p0 [sflag:s8], $0x0  }
0x24: {  	s3 =	sadd.s32 $0x88, s3;
	s6 =	simm.s32 @!p1 $0x1082;
	[sflag:s4] =	ssyncset.s32 $0xFFFFF086  }
0x25: {  	[simem:s6], [sflag:s4] =	dma.local [hbm:s3], $0xF7A  }
0x26: {  	[smem:$0x3F9F] =	sst s1;
	(tag) =	ssettag s2;
	_ =	strace s9  }
0x27: {  	s1 =	sld [smem:$0x3FAF]  }
0x28: {  	s2 =	sld [smem:$0x3FB0]  }
0x29: {  	s4 =	sld [smem:$0x3FB2]  }
0x2a: {  	p0 =	seq.s32 s5, $0x0;
	s5 =	sld [smem:$0x3FB3]  }
0x2b: {  	s6 =	sld [smem:$0x3FB4]  }
0x2c: {  	s7 =	sld [smem:$0x3FB5]  }
0x2d: {  	s3 =	simm.s32 $0x108;
	s8 =	sld [smem:$0x3FB6]  }
0x2e: {  	s3 =	simm.s32 @!p0 $0x1082;
	s9 =	sld [smem:$0x3FB7]  }
0x2f: {  	lr =	sadd.s32 s0, s3;
	s0 =	sld [smem:$0x3FAE]  }
0x30: {  	s3 =	sld [smem:$0x3FB1]  }
0x31: {  	[smem:$0x3FBA] =	sst s10  }
0x32: {  	s10 =	sld [smem:$0x3FB8];
	_ =	sdelay $0x3  }
0x33: {  	p0 =	seq.s32 s10, $0x1;
	s10 =	sld [smem:$0x3FBA];
	_ =	sdelay $0x3  }
0x34: {  	[smem:$0x3FBA] =	sst s10  }
0x35: {  	s10 =	sld [smem:$0x3FB9];
	_ =	sdelay $0x3  }
0x36: {  	p1 =	seq.s32 s10, $0x1;
	s10 =	sld [smem:$0x3FBA];
	_ =	sdelay $0x3  }
0x37: {  	[smem:$0x3FBA] =	sst s10  }
0x38: {  	s10 =	sld [smem:$0x3FBB]  }
0x39: {  	_ = 	snop;
	(pc) =	sbr.ind lr, $3  }
0x3a: {  	_ = 	snop  }
0x3b: {  	_ = 	snop  }
0x3c: {  	p2 =	seq.s32 s10, $0x1;
	s10 =	sld [smem:$0x3FBA]  }
0x3d: {  	_ =	shalt  }
0x3e: {  	_ =	shalt  }
0x3f: {  	_ =	shalt  }
0x40: {  	_ =	shalt  }
0x41: {  	_ =	shalt  }
0x42: {  	_ =	shalt  }
0x43: {  	_ =	shalt  }
0x44: {  	_ =	shalt  }
0x45: {  	_ =	shalt  }
0x46: {  	_ =	shalt  }
0x47: {  	_ =	shalt  }
0x48: {  	_ =	shalt  }
0x49: {  	_ =	shalt  }
0x4a: {  	_ =	shalt  }
0x4b: {  	_ =	shalt  }
0x4c: {  	_ =	shalt  }
0x4d: {  	_ =	shalt  }
0x4e: {  	_ =	shalt  }
0x4f: {  	_ =	shalt  }
0x50: {  	_ =	shalt  }
0x51: {  	_ =	shalt  }
0x52: {  	_ =	shalt  }
0x53: {  	_ =	shalt  }
0x54: {  	_ =	shalt  }
0x55: {  	_ =	shalt  }
0x56: {  	_ =	shalt  }
0x57: {  	_ =	shalt  }
0x58: {  	_ =	shalt  }
0x59: {  	_ =	shalt  }
0x5a: {  	_ =	shalt  }
0x5b: {  	_ =	shalt  }
0x5c: {  	_ =	shalt  }
0x5d: {  	_ =	shalt  }
0x5e: {  	_ =	shalt  }
0x5f: {  	_ =	shalt  }
0x60: {  	_ =	shalt  }
0x61: {  	_ =	shalt  }
0x62: {  	_ =	shalt  }
0x63: {  	_ =	shalt  }
0x64: {  	_ =	shalt  }
0x65: {  	_ =	shalt  }
0x66: {  	_ =	shalt  }
0x67: {  	_ =	shalt  }
0x68: {  	_ =	shalt  }
0x69: {  	_ =	shalt  }
0x6a: {  	_ =	shalt  }
0x6b: {  	_ =	shalt  }
0x6c: {  	_ =	shalt  }
0x6d: {  	_ =	shalt  }
0x6e: {  	_ =	shalt  }
0x6f: {  	_ =	shalt  }
0x70: {  	_ =	shalt  }
0x71: {  	_ =	shalt  }
0x72: {  	_ =	shalt  }
0x73: {  	_ =	shalt  }
0x74: {  	_ =	shalt  }
0x75: {  	_ =	shalt  }
0x76: {  	_ =	shalt  }
0x77: {  	_ =	shalt  }
0x78: {  	_ =	shalt  }
0x79: {  	_ =	shalt  }
0x7a: {  	_ =	shalt  }
0x7b: {  	_ =	shalt  }
0x7c: {  	_ =	shalt  }
0x7d: {  	_ =	shalt  }
0x7e: {  	_ =	shalt  }
0x7f: {  	_ =	shalt  }
0x80: {  	_ =	shalt  }
0x81: {  	_ =	shalt  }
0x82: {  	_ =	shalt  }
0x83: {  	_ =	shalt  }
0x84: {  	_ =	shalt  }
0x85: {  	_ =	shalt  }
0x86: {  	_ =	shalt  }
0x87: {  	_ =	shalt  }
.Lfunc_end0:
.L_simem_size_0:
called_computation_lowered:
.L_overlay_start_0:
0x88: {  	s2 =	sld [smem:$0x3FD9]  }
0x89: {  	s3 =	sld [smem:$0x3FFE];
	_ =	sdelay $0x1  }
0x8a: {  	s1 =	srdreg.scid  }
0x8b: {  	s0 =	sand.u32 $0x1, s1  }
0x8c: {  	s14 =	sshll.u32 s0, $0xA;
	s2 =	sadd.s32 s3, s2  }
0x8d: {  	s2 =	sadd.s32 s2, s14  }
0x8e: {  	[smem:$0x3FC6] =	sst s2  }
0x8f: {  	_ = 	snop  }
0x90: {  	s2 =	sld [smem:$0x3FD0];
	_ =	sdelay $0x1  }
0x91: {  	s15 =	sld [smem:$0x3FC9]  }
0x92: {  	s5 =	simm.s32 $0xA;
	s6 =	simm.s32 $0x10;
	s4 =	sld [smem:$0x3FC8]  }
0x93: {  	[smem:s6], [sflag:s5] =	dma.local [hbm:s2], $0x1  }
0x94: {  	_ =	swait.eq [sflag:s5], $0x1  }
0x95: {  	[sflag:s5] =	ssyncset.done $0x0  }
0x96: {  	[sflag:s5] =	ssyncadd.s32 $0xFFFFFFFF  }
0x97: {  	s16 =	sld [smem:$0x10];
	(tm) =	ssettm $0x1  }
0x98: {  	s17 =	sld [smem:$0x3FFB];
	_ =	sdelay $0x3  }
0x99: {  	_ =	strace s17  }
0x9a: {  	s5 =	sld [smem:$0x3FFC];
	_ =	sdelay $0x3  }
0x9b: {  	_ =	strace s5  }
0x9c: {  	s5 =	sld [smem:$0x3FFD];
	_ =	sdelay $0x3  }
0x9d: {  	_ =	strace s5  }
0x9e: {  	_ =	strace $0x8FFFFFFF  }
0x9f: {  	s18 =	sld [smem:$0x3FDB];
	_ =	sdelay $0x1  }
0xa0: {  	s19 =	simm.s32 $_scs_section_size  }
0xa1: {  	s7 =	simm.s32 $_size__tile_overlayer_lowered;
	s8 =	simm.s32 $_tile_overlayer_lowered  }
0xa2: {  	s22 =	simm.s32 $0x1BFF;
	s21 =	sshll.u32 s8, $0x1;
	s5 =	sadd.s32 s19, s18  }
0xa3: {  	s9 =	simm.s32 $0x0;
	s20 =	sshll.u32 s7, $0x1;
	s7 =	sadd.s32 s21, s5  }
0xa4: {  	[timem:s9], [sflag:s22] =	dma.local [hbm:s7], s20  }
0xa5: {  	_ =	swait.ge [sflag:s22], s20  }
0xa6: {  	s6 =	ssub.s32 $0x0, s20;
	[sflag:s22] =	ssyncset.done $0x0  }
0xa7: {  	[sflag:s22] =	ssyncadd.s32 s6;
	_ =	sdelay $0x1  }
0xa8: {  	s23 =	simm.s32 $0x1B8B  }
0xa9: {  	_ =	swait.ge [sflag:s23], $0x1  }
0xaa: {  	[sflag:s23] =	ssyncset.done $0x0  }
0xab: {  	s25 =	simm.s32 $0x1B8E;
	s24 =	sld [smem:$0x3FFE];
	[sflag:s23] =	ssyncadd.s32 $0xFFFFFFFF  }
0xac: {  	s26 =	simm.s32 $execute0_lowered;
	[smem:$0x3FD2] =	sst s25  }
0xad: {  	s7 =	sshll.u32 s26, $0x1;
	_ =	strace $0x80000046;
	[dreg:$0x1] =	wrdreg $0xFFFFFFFF  }
0xae: {  	s28 =	simm.s32 $_size_execute0_lowered;
	s5 =	sadd.s32 s5, s7;
	[dreg:$0x0] =	wrdreg $0x0  }
0xaf: {  	s7 =	sshll.u32 s28, $0x1;
	[dreg:$0x2] =	wrdreg s5  }
0xb0: {  	[dreg:$0x3] =	wrdreg s7  }
0xb1: {  	[dreg:$0x4] =	wrdreg $0xC0  }
0xb2: {  	_ =	task [dreg:s9], $0x5FFFF  }
0xb3: {  	[dreg:$0x1] =	wrdreg $0xFFFFFFFF  }
0xb4: {  	[dreg:$0x0] =	wrdreg $0x60  }
0xb5: {  	[dreg:$0x2] =	wrdreg s4  }
0xb6: {  	[dreg:$0x3] =	wrdreg s24  }
0xb7: {  	[dreg:$0x4] =	wrdreg s15  }
0xb8: {  	[dreg:$0x5] =	wrdreg s16  }
0xb9: {  	[dreg:$0x6] =	wrdreg $0x9  }
0xba: {  	_ =	task.clear_ibuf [dreg:s9], $0x7FFFF;
	_ =	strace $0x90000046  }
0xbb: {  	s29 =	simm.s32 $0x9;
	_ =	strace $0x80000048  }
0xbc: {  	_ =	swait.ge [sflag:s29], $0x1  }
0xbd: {  	[sflag:s29] =	ssyncadd.s32 $0xFFFFFFFF  }
0xbe: {  	_ =	strace $0x90000048  }
0xbf: {  	_ =	sfence  }
0xc0: {  	s30 =	sld [smem:$0x0];
	_ =	sdelay $0x2  }
0xc1: {  	s31 =	sshll.u32 s1, $0xD;
	s1 =	sshrl.u32 s1, $0x2  }
0xc2: {  	s3 =	sand.u32 $0x4000, s31;
	s1 =	sadd.s32 s1, s30  }
0xc3: {  	s0 =	sor.u32 s3, s0;
	s1 =	sshll.u32 s1, $0x11  }
0xc4: {  	s0 =	sor.u32 s1, s0  }
0xc5: {  	s0 =	sadd.s32 $0x8F2B, s0  }
0xc6: {  	[sflag:s0] =	ssyncadd.remote.s32 $0x1  }
0xc7: {  	_ =	sfence.sel $0xFFFF  }
0xc8: {  	[dreg:$0x0] =	wrdreg $0xFFFFFFFF;
	(pc) =	sbr.abs _section_cstart, $3  }
0xc9: {  	[dreg:$0x1] =	wrdreg $0xFFFFFFFF  }
0xca: {  	_ =	task.clear_ibuf [dreg:s9], $0x2FFFF;
	_ =	strace $0x9FFFFFFF  }
0xcb: {  	(tm) =	ssettm $0x7FFFFFFF  }
tec
execute0_lowered:
.L_overlay_start_1:
0x0: {  	(tag) =	ssettag $0x1  }
0x1: {  	s1 =	rddreg [dreg:$0x0]  }
0x2: {  	s0 =	rddreg [dreg:$0x1]  }
0x3: {  	s2 =	rddreg [dreg:$0x2]  }
0x4: {  	s6 =	rddreg [dreg:$0x3]  }
0x5: {  	s4 =	srdreg.scid;
	s5 =	stileid.u32  }
0x6: {  	s3 =	simm.s32 $0x0;
	s16 =	simm.s32 $0x3100;
	s17 =	simm.s32 $0x3900  }
0x7: {  	s18 =	simm.s32 $0x4100;
	s19 =	simm.s32 $0x4900;
	s20 =	simm.s32 $0x5100  }
0x8: {  	s21 =	simm.s32 $0x5900;
	s22 =	simm.s32 $0x6100;
	s23 =	simm.s32 $0x6900  }
0x9: {  	s24 =	simm.s32 $0x7100;
	s25 =	simm.s32 $0x7900;
	s26 =	simm.s32 $0x8100  }
0xa: {  	s28 =	simm.s32 $0x8900;
	s4 =	sand.u32 $0x1, s4;
	s5 =	sshll.u32 s5, $0x1  }
0xb: {  	s29 =	simm.s32 $0x9100;
	s30 =	simm.s32 $0x1;
	s5 =	sor.u32 s4, s5  }
0xc: {  	s31 =	simm.s32 $0x12100;
	[smem:$0x7FF] =	sst s3;
	s7 =	smul.u32 $0x12, s5  }
0xd: {  	s4 =	ssub.s32 $0x2, s4;
	s8 =	sshll.u32 s5, $0x4;
	s10 =	smul.u32 $0x1200, s5  }
0xe: {  	_ =	strace $0x80000047;
	s9 =	sshrl.u32 s4, $0x1;
	s8 =	sadd.s32 s8, s0  }
0xf: {  	v2 =	vlaneseq.u32;
	s9 =	ssub.s32 s4, s9;
	s4 =	sadd.s32 s0, s7;
	s5 =	sadd.s32 s2, s10  }
0x10: {  	vm0 =	vmmov $0xffff;
	v1 =	vshrl.u32 v2, $0x3;
	s6 =	sadd.s32 s6, s10;
	s7 =	sadd.s32 $0x400, s8;
	s8 =	smax.u32 s9, $0x1  }
0x11: {  	v0 =	vand.u32 $0x7, v2;
	v2 =	vor.u32 $0x8, v2;
	v1 =	vmul.u32 $0x8, v1;
	s9 =	simm.s32 $0x2;
	s10 =	simm.s32 $0x100;
	s0 =	simm.s32 $0x0  }
.LBB2_1:
0x12: {  	[tilespmem:s3], [sflag:$0x2] =	stream.linear.gather [hbm4b:s4+s3], $0x90, $0x38;
	[tilespmem:$0x12180] =	vst v63  }
0x13: {  	_ =	swait.ge [sflag:s9], $0x90  }
0x14: {  	[sflag:s9] =	ssyncset.done $0x0  }
0x15: {  	[sflag:s9] =	ssyncadd.s32 $0xFFFFFF70  }
0x16: {  	v3 =	vld [tilespmem:$0x0];
	_ =	sdelay $0x4  }
0x17: {  	v4 =	vshll.u32 v3, $0x1  }
0x18: {  	v3 =	vand.u32 $0x7, v3;
	v4 =	vand.u32 $0xFFFFFFF0, v4  }
0x19: {  	v3 =	vor.u32 v3, v4  }
0x1a: {  	v4 =	vperm.xlane v3, v0;
	_ =	sdelay $0x1  }
0x1b: {  	v3 =	vperm.xlane v3, v2;
	v4 =	vadd.s32 v1, v4;
	_ =	sdelay $0x1  }
0x1c: {  	v3 =	vadd.s32 v1, v3;
	_ =	sdelay $0x2  }
0x1d: {  	[tilespmem:s10], [sflag:$0x1] =	stream.indirect_vreg.gather [hbm4b:s1+s3], $0x80, v4, vm0, $0xb8;
	[tilespmem:$0x12180] =	vst v63  }
0x1e: {  	s2 =	simm.s32 $0x900  }
0x1f: {  	[tilespmem:s2], [sflag:$0x1] =	stream.indirect_vreg.gather [hbm4b:s1+s3], $0x80, v3, vm0, $0xb8;
	[tilespmem:$0x12180] =	vst v63  }
0x20: {  	v3 =	vld [tilespmem:$0x10];
	_ =	sdelay $0x4  }
0x21: {  	v4 =	vshll.u32 v3, $0x1  }
0x22: {  	v3 =	vand.u32 $0x7, v3;
	v4 =	vand.u32 $0xFFFFFFF0, v4  }
0x23: {  	v3 =	vor.u32 v3, v4  }
0x24: {  	v4 =	vperm.xlane v3, v0;
	_ =	sdelay $0x1  }
0x25: {  	v3 =	vperm.xlane v3, v2;
	v4 =	vadd.s32 v1, v4;
	_ =	sdelay $0x1  }
0x26: {  	v3 =	vadd.s32 v1, v3;
	_ =	sdelay $0x1  }
0x27: {  	s11 =	simm.s32 $0x1100  }
0x28: {  	[tilespmem:s11], [sflag:$0x1] =	stream.indirect_vreg.gather [hbm4b:s1+s3], $0x80, v4, vm0, $0xb8;
	[tilespmem:$0x12180] =	vst v63  }
0x29: {  	s12 =	simm.s32 $0x1900  }
0x2a: {  	[tilespmem:s12], [sflag:$0x1] =	stream.indirect_vreg.gather [hbm4b:s1+s3], $0x80, v3, vm0, $0xb8;
	[tilespmem:$0x12180] =	vst v63  }
0x2b: {  	v3 =	vld [tilespmem:$0x20];
	_ =	sdelay $0x4  }
0x2c: {  	v4 =	vshll.u32 v3, $0x1  }
0x2d: {  	v3 =	vand.u32 $0x7, v3;
	v4 =	vand.u32 $0xFFFFFFF0, v4  }
0x2e: {  	v3 =	vor.u32 v3, v4  }
0x2f: {  	v4 =	vperm.xlane v3, v0;
	_ =	sdelay $0x1  }
0x30: {  	v3 =	vperm.xlane v3, v2;
	v4 =	vadd.s32 v1, v4;
	_ =	sdelay $0x1  }
0x31: {  	v3 =	vadd.s32 v1, v3;
	_ =	sdelay $0x1  }
0x32: {  	s13 =	simm.s32 $0x2100  }
0x33: {  	[tilespmem:s13], [sflag:$0x1] =	stream.indirect_vreg.gather [hbm4b:s1+s3], $0x80, v4, vm0, $0xb8;
	[tilespmem:$0x12180] =	vst v63  }
0x34: {  	s14 =	simm.s32 $0x2900  }
0x35: {  	[tilespmem:s14], [sflag:$0x1] =	stream.indirect_vreg.gather [hbm4b:s1+s3], $0x80, v3, vm0, $0xb8;
	[tilespmem:$0x12180] =	vst v63  }
0x36: {  	v3 =	vld [tilespmem:$0x30];
	_ =	sdelay $0x4  }
0x37: {  	v4 =	vshll.u32 v3, $0x1  }
0x38: {  	v3 =	vand.u32 $0x7, v3;
	v4 =	vand.u32 $0xFFFFFFF0, v4  }
0x39: {  	v3 =	vor.u32 v3, v4  }
0x3a: {  	v4 =	vperm.xlane v3, v0;
	_ =	sdelay $0x1  }
0x3b: {  	v3 =	vperm.xlane v3, v2;
	v4 =	vadd.s32 v1, v4;
	_ =	sdelay $0x1  }
0x3c: {  	v3 =	vadd.s32 v1, v3;
	_ =	sdelay $0x2  }
0x3d: {  	[tilespmem:s16], [sflag:$0x1] =	stream.indirect_vreg.gather [hbm4b:s1+s3], $0x80, v4, vm0, $0xb8;
	[tilespmem:$0x12180] =	vst v63  }
0x3e: {  	_ = 	snop  }
0x3f: {  	[tilespmem:s17], [sflag:$0x1] =	stream.indirect_vreg.gather [hbm4b:s1+s3], $0x80, v3, vm0, $0xb8;
	[tilespmem:$0x12180] =	vst v63  }
0x40: {  	v3 =	vld.msk [tilespmem:$0x40], $0xff;
	_ =	sdelay $0x4  }
0x41: {  	v4 =	vshll.u32 v3, $0x1  }
0x42: {  	v3 =	vand.u32 $0x7, v3;
	v4 =	vand.u32 $0xFFFFFFF0, v4  }
0x43: {  	v3 =	vor.u32 v3, v4  }
0x44: {  	v3 =	vperm.xlane v3, v0;
	_ =	sdelay $0x1  }
0x45: {  	v3 =	vadd.s32 v1, v3;
	_ =	sdelay $0x4  }
0x46: {  	[tilespmem:s18], [sflag:$0x1] =	stream.indirect_vreg.gather [hbm4b:s1+s3], $0x80, v3, vm0, $0xb8;
	[tilespmem:$0x12180] =	vst v63  }
0x47: {  	v3 =	vld [tilespmem:$0x48];
	_ =	sdelay $0x4  }
0x48: {  	v4 =	vshll.u32 v3, $0x1  }
0x49: {  	v3 =	vand.u32 $0x7, v3;
	v4 =	vand.u32 $0xFFFFFFF0, v4  }
0x4a: {  	v3 =	vor.u32 v3, v4  }
0x4b: {  	v4 =	vperm.xlane v3, v0;
	_ =	sdelay $0x1  }
0x4c: {  	v3 =	vperm.xlane v3, v2;
	v4 =	vadd.s32 v1, v4;
	_ =	sdelay $0x1  }
0x4d: {  	v3 =	vadd.s32 v1, v3;
	_ =	sdelay $0x2  }
0x4e: {  	[tilespmem:s19], [sflag:$0x1] =	stream.indirect_vreg.gather [hbm4b:s1+s3], $0x80, v4, vm0, $0xb8;
	[tilespmem:$0x12180] =	vst v63  }
0x4f: {  	_ = 	snop  }
0x50: {  	[tilespmem:s20], [sflag:$0x1] =	stream.indirect_vreg.gather [hbm4b:s1+s3], $0x80, v3, vm0, $0xb8;
	[tilespmem:$0x12180] =	vst v63  }
0x51: {  	v3 =	vld [tilespmem:$0x58];
	_ =	sdelay $0x4  }
0x52: {  	v4 =	vshll.u32 v3, $0x1  }
0x53: {  	v3 =	vand.u32 $0x7, v3;
	v4 =	vand.u32 $0xFFFFFFF0, v4  }
0x54: {  	v3 =	vor.u32 v3, v4  }
0x55: {  	v4 =	vperm.xlane v3, v0;
	_ =	sdelay $0x1  }
0x56: {  	v3 =	vperm.xlane v3, v2;
	v4 =	vadd.s32 v1, v4;
	_ =	sdelay $0x1  }
0x57: {  	v3 =	vadd.s32 v1, v3;
	_ =	sdelay $0x2  }
0x58: {  	[tilespmem:s21], [sflag:$0x1] =	stream.indirect_vreg.gather [hbm4b:s1+s3], $0x80, v4, vm0, $0xb8;
	[tilespmem:$0x12180] =	vst v63  }
0x59: {  	_ = 	snop  }
0x5a: {  	[tilespmem:s22], [sflag:$0x1] =	stream.indirect_vreg.gather [hbm4b:s1+s3], $0x80, v3, vm0, $0xb8;
	[tilespmem:$0x12180] =	vst v63  }
0x5b: {  	v3 =	vld [tilespmem:$0x68];
	_ =	sdelay $0x4  }
0x5c: {  	v4 =	vshll.u32 v3, $0x1  }
0x5d: {  	v3 =	vand.u32 $0x7, v3;
	v4 =	vand.u32 $0xFFFFFFF0, v4  }
0x5e: {  	v3 =	vor.u32 v3, v4  }
0x5f: {  	v4 =	vperm.xlane v3, v0;
	_ =	sdelay $0x1  }
0x60: {  	v3 =	vperm.xlane v3, v2;
	v4 =	vadd.s32 v1, v4;
	_ =	sdelay $0x1  }
0x61: {  	v3 =	vadd.s32 v1, v3;
	_ =	sdelay $0x2  }
0x62: {  	[tilespmem:s23], [sflag:$0x1] =	stream.indirect_vreg.gather [hbm4b:s1+s3], $0x80, v4, vm0, $0xb8;
	[tilespmem:$0x12180] =	vst v63  }
0x63: {  	_ = 	snop  }
0x64: {  	[tilespmem:s24], [sflag:$0x1] =	stream.indirect_vreg.gather [hbm4b:s1+s3], $0x80, v3, vm0, $0xb8;
	[tilespmem:$0x12180] =	vst v63  }
0x65: {  	v3 =	vld [tilespmem:$0x78];
	_ =	sdelay $0x4  }
0x66: {  	v4 =	vshll.u32 v3, $0x1  }
0x67: {  	v3 =	vand.u32 $0x7, v3;
	v4 =	vand.u32 $0xFFFFFFF0, v4  }
0x68: {  	v3 =	vor.u32 v3, v4  }
0x69: {  	v4 =	vperm.xlane v3, v0;
	_ =	sdelay $0x1  }
0x6a: {  	v3 =	vperm.xlane v3, v2;
	v4 =	vadd.s32 v1, v4;
	_ =	sdelay $0x1  }
0x6b: {  	v3 =	vadd.s32 v1, v3;
	_ =	sdelay $0x2  }
0x6c: {  	[tilespmem:s25], [sflag:$0x1] =	stream.indirect_vreg.gather [hbm4b:s1+s3], $0x80, v4, vm0, $0xb8;
	[tilespmem:$0x12180] =	vst v63  }
0x6d: {  	_ = 	snop  }
0x6e: {  	[tilespmem:s26], [sflag:$0x1] =	stream.indirect_vreg.gather [hbm4b:s1+s3], $0x80, v3, vm0, $0xb8;
	[tilespmem:$0x12180] =	vst v63  }
0x6f: {  	v3 =	vld.msk [tilespmem:$0x88], $0xff;
	_ =	sdelay $0x4  }
0x70: {  	v4 =	vshll.u32 v3, $0x1  }
0x71: {  	v3 =	vand.u32 $0x7, v3;
	v4 =	vand.u32 $0xFFFFFFF0, v4  }
0x72: {  	v3 =	vor.u32 v3, v4  }
0x73: {  	v3 =	vperm.xlane v3, v0;
	_ =	sdelay $0x1  }
0x74: {  	v3 =	vadd.s32 v1, v3;
	_ =	sdelay $0x4  }
0x75: {  	[tilespmem:s28], [sflag:$0x1] =	stream.indirect_vreg.gather [hbm4b:s1+s3], $0x80, v3, vm0, $0xb8;
	[tilespmem:$0x12180] =	vst v63  }
0x76: {  	_ = 	snop  }
0x77: {  	[tilespmem:s29], [sflag:$0x2] =	stream.linear.gather [hbm4b:s5+s3], $0x9000, $0x38;
	[tilespmem:$0x12180] =	vst v63  }
0x78: {  	_ =	swait.ge [sflag:s9], $0x9000  }
0x79: {  	[sflag:s9] =	ssyncset.done $0x0  }
0x7a: {  	[sflag:s9] =	ssyncadd.s32 $0xFFFF7000  }
0x7b: {  	_ =	swait.ge [sflag:s30], $0x4800  }
0x7c: {  	[sflag:s30] =	ssyncset.done $0x0  }
0x7d: {  	[sflag:s30] =	ssyncadd.s32 $0xFFFFB800  }
0x7e: {  	_ =	swait.ge [sflag:s30], $0x4800  }
0x7f: {  	s15 =	sand.u32 $0xF800, s3;
	s11 =	sand.u32 $0x380, s3;
	[sflag:s30] =	ssyncset.done $0x0  }
0x80: {  	s2 =	sor.u32 s11, s15;
	[sflag:s30] =	ssyncadd.s32 $0xFFFFB800  }
0x81: {  	v3 =	vld [tilespmem:s2+$0x100]  }
0x82: {  	v4 =	vld [tilespmem:s2+$0x9100]  }
0x83: {  	v5 =	vld [tilespmem:s2+$0x110]  }
0x84: {  	v6 =	vld [tilespmem:s2+$0x9110]  }
0x85: {  	v7 =	vld [tilespmem:s2+$0x120]  }
0x86: {  	v8 =	vld [tilespmem:s2+$0x9120]  }
0x87: {  	v9 =	vld [tilespmem:s2+$0x130];
	v3 =	vsub.f32 v3, v4  }
0x88: {  	v10 =	vld [tilespmem:s2+$0x9130]  }
0x89: {  	v11 =	vld [tilespmem:s2+$0x140];
	v5 =	vsub.f32 v5, v6;
	v4 =	vadd.f32 v3, v4  }
0x8a: {  	v12 =	vld [tilespmem:s2+$0x9140];
	v3 =	vmul.f32 v3, v3  }
0x8b: {  	v13 =	vimm.f32 $0.0e+00;
	[tilespmem:s2+$0x100] =	vst v4;
	v4 =	vadd.f32 v5, v6;
	v6 =	vsub.f32 v7, v8;
	v7 =	vld [tilespmem:s2+$0x150]  }
0x8c: {  	v5 =	vmul.f32 v5, v5;
	v3 =	vadd.f32 v3, v13;
	v13 =	vld [tilespmem:s2+$0x9150]  }
0x8d: {  	[tilespmem:s2+$0x110] =	vst v4;
	v4 =	vadd.f32 v6, v8;
	v8 =	vsub.f32 v9, v10;
	v9 =	vld [tilespmem:s2+$0x160]  }
0x8e: {  	v6 =	vmul.f32 v6, v6;
	v3 =	vadd.f32 v5, v3;
	v5 =	vld [tilespmem:s2+$0x9160]  }
0x8f: {  	[tilespmem:s2+$0x120] =	vst v4;
	v4 =	vadd.f32 v8, v10;
	v10 =	vsub.f32 v11, v12;
	v11 =	vld [tilespmem:s2+$0x170]  }
0x90: {  	v8 =	vmul.f32 v8, v8;
	v3 =	vadd.f32 v6, v3;
	v6 =	vld [tilespmem:s2+$0x9170]  }
0x91: {  	[tilespmem:s2+$0x130] =	vst v4;
	v4 =	vadd.f32 v10, v12;
	v12 =	vld [tilespmem:s2+$0x500]  }
0x92: {  	v7 =	vsub.f32 v7, v13;
	v10 =	vmul.f32 v10, v10;
	v3 =	vadd.f32 v8, v3;
	v8 =	vld [tilespmem:s2+$0x9500]  }
0x93: {  	v14 =	vld [tilespmem:s2+$0x9510];
	[tilespmem:s2+$0x140] =	vst v4;
	v4 =	vsub.f32 v9, v5  }
0x94: {  	v13 =	vadd.f32 v7, v13;
	v7 =	vmul.f32 v7, v7;
	v9 =	vld [tilespmem:s2+$0x510];
	v3 =	vadd.f32 v10, v3  }
0x95: {  	v10 =	vsub.f32 v11, v6;
	v11 =	vld [tilespmem:s2+$0x520];
	v5 =	vadd.f32 v4, v5  }
0x96: {  	[tilespmem:s2+$0x150] =	vst v13;
	v13 =	vld [tilespmem:s2+$0x9520];
	v4 =	vmul.f32 v4, v4;
	v3 =	vadd.f32 v7, v3  }
0x97: {  	v15 =	vld [tilespmem:s2+$0x530];
	[tilespmem:s2+$0x160] =	vst v5;
	v5 =	vadd.f32 v10, v6;
	v6 =	vsub.f32 v12, v8  }
0x98: {  	v7 =	vmul.f32 v10, v10;
	v4 =	vadd.f32 v4, v3;
	v3 =	vld [tilespmem:s2+$0x9530]  }
0x99: {  	v10 =	vld [tilespmem:s2+$0x540];
	[tilespmem:s2+$0x170] =	vst v5;
	v5 =	vadd.f32 v6, v8;
	v8 =	vsub.f32 v9, v14  }
0x9a: {  	v12 =	vmul.f32 v6, v6;
	v4 =	vadd.f32 v7, v4;
	v6 =	vld [tilespmem:s2+$0x9540]  }
0x9b: {  	v9 =	vld [tilespmem:s2+$0x550];
	[tilespmem:s2+$0x500] =	vst v5;
	v5 =	vadd.f32 v8, v14;
	v14 =	vsub.f32 v11, v13  }
0x9c: {  	v7 =	vld [tilespmem:s2+$0x9550];
	v8 =	vmul.f32 v8, v8;
	v16 =	vadd.f32 v12, v4  }
0x9d: {  	v11 =	vld [tilespmem:s2+$0x560];
	v4 =	vadd.f32 v14, v13  }
0x9e: {  	s11 =	simm.s32 $0x80;
	s12 =	simm.s32 $0x100;
	[tilespmem:s2+$0x510] =	vst v5;
	v12 =	vmul.f32 v14, v14;
	v5 =	vsub.f32 v15, v3;
	v13 =	vadd.f32 v8, v16;
	v8 =	vld [tilespmem:s2+$0x9560]  }
.LBB2_2:
0x9f: {  	s14 =	smov.u32 s12  }
0xa0: {  	s13 =	sand.u32 $0xF800, s12;
	s15 =	sand.u32 $0x380, s11;
	v14 =	vmul.f32 v5, v5;
	v10 =	vsub.f32 v10, v6;
	v15 =	vld [tilespmem:s2+$0x570];
	s14 =	sadd.s32 $0x100, s12  }
0xa1: {  	p0 =	sne.s32 s12, $0x8F00;
	s13 =	sor.u32 s15, s13;
	v12 =	vadd.f32 v12, v13;
	v13 =	vld [tilespmem:s2+$0x9570]  }
0xa2: {  	v6 =	vadd.f32 v10, v6;
	v10 =	vmul.f32 v10, v10;
	v9 =	vsub.f32 v9, v7;
	v16 =	vld [tilespmem:s13+$0x100]  }
0xa3: {  	v12 =	vadd.f32 v14, v12;
	v17 =	vld [tilespmem:s13+$0x9100]  }
0xa4: {  	v14 =	vld [tilespmem:s13+$0x110];
	[tilespmem:s2+$0x540] =	vst v6;
	v6 =	vadd.f32 v9, v7;
	v7 =	vmul.f32 v9, v9;
	v9 =	vsub.f32 v11, v8  }
0xa5: {  	v10 =	vadd.f32 v10, v12;
	v11 =	vld [tilespmem:s13+$0x9110]  }
0xa6: {  	v12 =	vld [tilespmem:s13+$0x120];
	[tilespmem:s2+$0x550] =	vst v6;
	v6 =	vadd.f32 v9, v8;
	v8 =	vmul.f32 v9, v9;
	v9 =	vsub.f32 v15, v13  }
0xa7: {  	v7 =	vadd.f32 v7, v10;
	v15 =	vld [tilespmem:s13+$0x9120]  }
0xa8: {  	v10 =	vsub.f32 v16, v17;
	v16 =	vld [tilespmem:s13+$0x130];
	[tilespmem:s2+$0x560] =	vst v6;
	v6 =	vadd.f32 v9, v13;
	v9 =	vmul.f32 v9, v9  }
0xa9: {  	v7 =	vadd.f32 v8, v7;
	v13 =	vld [tilespmem:s13+$0x9130]  }
0xaa: {  	v8 =	vadd.f32 v10, v17;
	v10 =	vmul.f32 v10, v10;
	v14 =	vsub.f32 v14, v11;
	v17 =	vld [tilespmem:s13+$0x140];
	[tilespmem:s2+$0x570] =	vst v6  }
0xab: {  	v7 =	vadd.f32 v9, v7;
	v6 =	vld [tilespmem:s13+$0x9140]  }
0xac: {  	[tilespmem:s13+$0x100] =	vst v8;
	v8 =	vadd.f32 v14, v11;
	v9 =	vmul.f32 v14, v14;
	v11 =	vsub.f32 v12, v15;
	v12 =	vld [tilespmem:s13+$0x150]  }
0xad: {  	v7 =	vadd.f32 v10, v7;
	v10 =	vld [tilespmem:s13+$0x9150]  }
0xae: {  	[tilespmem:s13+$0x110] =	vst v8;
	v8 =	vadd.f32 v11, v15;
	v11 =	vmul.f32 v11, v11;
	v14 =	vsub.f32 v16, v13;
	v15 =	vld [tilespmem:s13+$0x160]  }
0xaf: {  	v7 =	vadd.f32 v9, v7;
	v9 =	vld [tilespmem:s13+$0x9160]  }
0xb0: {  	[tilespmem:s13+$0x120] =	vst v8;
	v8 =	vadd.f32 v14, v13;
	v13 =	vmul.f32 v14, v14;
	v14 =	vsub.f32 v17, v6;
	v16 =	vld [tilespmem:s13+$0x170]  }
0xb1: {  	v7 =	vadd.f32 v11, v7;
	v11 =	vld [tilespmem:s13+$0x9170]  }
0xb2: {  	[tilespmem:s13+$0x130] =	vst v8;
	v6 =	vadd.f32 v14, v6;
	v8 =	vmul.f32 v14, v14;
	v14 =	vld [tilespmem:s13+$0x500]  }
0xb3: {  	v7 =	vadd.f32 v13, v7;
	v12 =	vsub.f32 v12, v10;
	v13 =	vld [tilespmem:s13+$0x9500]  }
0xb4: {  	v3 =	vadd.f32 v5, v3;
	[tilespmem:s13+$0x140] =	vst v6;
	v6 =	vsub.f32 v15, v9;
	v15 =	vld [tilespmem:s13+$0x510]  }
0xb5: {  	v5 =	vadd.f32 v8, v7;
	v7 =	vadd.f32 v12, v10;
	v8 =	vmul.f32 v12, v12;
	v12 =	vld [tilespmem:s13+$0x9510];
	[tilespmem:s2+$0x520] =	vst v4  }
0xb6: {  	v4 =	vadd.f32 v6, v9;
	v6 =	vmul.f32 v6, v6;
	v9 =	vsub.f32 v16, v11;
	v16 =	vld [tilespmem:s13+$0x520];
	[tilespmem:s2+$0x530] =	vst v3;
	s2 =	smov.u32 s13  }
0xb7: {  	v3 =	vadd.f32 v8, v5;
	[tilespmem:s2+$0x150] =	vst v7;
	v5 =	vld [tilespmem:s2+$0x9520]  }
0xb8: {  	[tilespmem:s2+$0x160] =	vst v4;
	v4 =	vadd.f32 v9, v11;
	v7 =	vmul.f32 v9, v9;
	v8 =	vsub.f32 v14, v13;
	v11 =	vld [tilespmem:s2+$0x530]  }
0xb9: {  	v6 =	vadd.f32 v6, v3;
	v3 =	vld [tilespmem:s2+$0x9530]  }
0xba: {  	[tilespmem:s2+$0x170] =	vst v4;
	v4 =	vadd.f32 v8, v13;
	v8 =	vmul.f32 v8, v8;
	v9 =	vsub.f32 v15, v12;
	v10 =	vld [tilespmem:s2+$0x540]  }
.Ltmp0:
0xbb: {  	v7 =	vadd.f32 v7, v6;
	v6 =	vld [tilespmem:s2+$0x9540];
	(pc) =	sbr.rel @p0 .LBB2_2-.Ltmp0, $4  }
0xbc: {  	[tilespmem:s2+$0x500] =	vst v4;
	v4 =	vadd.f32 v9, v12;
	v13 =	vmul.f32 v9, v9;
	v12 =	vsub.f32 v16, v5;
	v9 =	vld [tilespmem:s2+$0x550]  }
0xbd: {  	v8 =	vadd.f32 v8, v7;
	v7 =	vld [tilespmem:s2+$0x9550]  }
0xbe: {  	[tilespmem:s2+$0x510] =	vst v4;
	v4 =	vadd.f32 v12, v5;
	v12 =	vmul.f32 v12, v12;
	v5 =	vsub.f32 v11, v3;
	v11 =	vld [tilespmem:s2+$0x560]  }
0xbf: {  	s11 =	sadd.s32 $0x80, s11;
	s12 =	smov.u32 s14;
	v13 =	vadd.f32 v13, v8;
	v8 =	vld [tilespmem:s2+$0x9560]  }
0xc0: {  	_ = 	snop  }
0xc1: {  	v14 =	vld [tilespmem:s2+$0x570];
	v15 =	vmul.f32 v5, v5;
	v10 =	vsub.f32 v10, v6;
	v12 =	vadd.f32 v12, v13  }
0xc2: {  	v55 =	vld [tilespmem:s2+$0x9570]  }
0xc3: {  	v56 =	vmul.f32 v10, v10;
	v9 =	vsub.f32 v9, v7;
	v12 =	vadd.f32 v15, v12;
	_ =	sdelay $0x1  }
0xc4: {  	v57 =	vmul.f32 v9, v9;
	v11 =	vsub.f32 v11, v8;
	v12 =	vadd.f32 v56, v12  }
0xc5: {  	v3 =	vadd.f32 v5, v3;
	v6 =	vadd.f32 v10, v6  }
0xc6: {  	[tilespmem:s2+$0x520] =	vst v4;
	v58 =	vsub.f32 v14, v55;
	v60 =	vmul.f32 v11, v11;
	v10 =	vadd.f32 v57, v12  }
0xc7: {  	[tilespmem:s2+$0x530] =	vst v3;
	v7 =	vadd.f32 v9, v7  }
0xc8: {  	[tilespmem:s2+$0x540] =	vst v6;
	v59 =	vadd.f32 v11, v8;
	v62 =	vmul.f32 v58, v58;
	v8 =	vadd.f32 v60, v10  }
0xc9: {  	[tilespmem:s2+$0x550] =	vst v7;
	v61 =	vadd.f32 v58, v55  }
0xca: {  	[tilespmem:s2+$0x560] =	vst v59;
	v63 =	vadd.f32 v62, v8  }
0xcb: {  	[tilespmem:s2+$0x570] =	vst v61  }
0xcc: {  	[tilespmem:$0x12100] =	vst v63  }
0xcd: {  	[hbm4b:s6+s3] =	stream.linear.scatter [tilespmem:s10], [sflag:$0x2], $0x9000, $0x38;
	[tilespmem:$0x12180] =	vst v63  }
0xce: {  	s0 =	sadd.s32 $0x1, s0;
	_ =	swait.ge [sflag:s9], $0x9000  }
0xcf: {  	p0 =	sne.s32 s0, s8;
	[sflag:s9] =	ssyncset.done $0x0  }
.Ltmp1:
0xd0: {  	[sflag:s9] =	ssyncadd.s32 $0xFFFF7000;
	(pc) =	sbr.rel @p0 .LBB2_1-.Ltmp1, $4  }
0xd1: {  	[hbm4b:s7+s3] =	stream.linear.scatter [tilespmem:s31], [sflag:$0x2], $0x80, $0x38;
	[tilespmem:$0x12180] =	vst v63  }
0xd2: {  	_ =	swait.ge [sflag:s9], $0x80  }
0xd3: {  	[sflag:s9] =	ssyncset.done $0x0  }
0xd4: {  	[sflag:s9] =	ssyncadd.s32 $0xFFFFFF80  }
0xd5: {  	_ =	sfence.sel $0x180000  }
0xd6: {  	[bflag:$0x0] =	sbarrier.arrive $0xFFFF  }
0xd7: {  	_ =	strace $0x90000047  }
0xd8: {  	s0 =	stileid.u32;
	[bflag:$0x2] =	sbarrier.arrive $0xFFFF  }
0xd9: {  	p0 =	sne.s32 s0, $0x0;
	s0 =	rddreg [dreg:$0x4]  }
0xda: {  	s0 =	sadd.s32 @!p0 $0x100000, s0  }
0xdb: {  	[sflag:s0] =	ssyncadd.tile.s32 @!p0 $0x1;
	_ =	shalt  }
.Lfunc_end2:
_tile_overlayer_lowered:
.L_overlay_start_2:
0xdc: {  	(tag) =	ssettag $0x2  }
0xdd: {  	s0 =	rddreg [dreg:$0x0];
	s2 =	stileid.u32  }
0xde: {  	s1 =	rddreg [dreg:$0x1];
	p0 =	sne.s32 s2, $0x0  }
0xdf: {  	s3 =	rddreg [dreg:$0x2];
	[bflag:$0x3] =	sbarrier.arrive $0xFFFF;
	s2 =	simm.s32 @!p0 $0x1C02  }
0xe0: {  	[timem:s3], [sflag:s2] =	dma.local @!p0 [hbm:s0], s1  }
0xe1: {  	s0 =	simm.s32 @!p0 $0x2  }
0xe2: {  	_ =	swait.ge @!p0 [sflag:s0], s1  }
0xe3: {  	s1 =	ssub.s32 @!p0 $0x0, s1;
	[sflag:s0] =	ssyncset.done @!p0 $0x0  }
0xe4: {  	[sflag:s0] =	ssyncadd.s32 @!p0 s1  }
0xe5: {  	[bflag:$0x3] =	sbarrier.arrive $0xFFFF  }
0xe6: {  	_ =	shalt  }

</sc_bundles>
